<compile_context>
chip_gen: v7x
topology: tpu7x:2x2x1
jax: 0.10.2.dev20260603
libtpu: 0.0.44.dev20260713+nightly
codegen_flags: <defaults>
</compile_context>

<pallas_src>
import functools

import jax
import jax.numpy as jnp
from jax import lax
from jax.experimental import pallas as pl
from jax.experimental.pallas import tpu as pltpu
from jax.experimental.pallas import tpu_sc as plsc

_NC = 2
_NS = 16
_C = 80
_SB = 4000
_HALF = 64


def _sc_layer(h2, meta, wmeta, zeros, n_nodes, n_edges):
    eps = n_edges // _NS
    nsc = eps // _SB
    S = _SB // _C
    npad = -(-n_nodes // (_NS * 8)) * (_NS * 8)
    rpt = npad // _NS

    mesh = plsc.VectorSubcoreMesh(core_axis_name="c", subcore_axis_name="s")

    @functools.partial(
        pl.kernel,
        mesh=mesh,
        compiler_params=pltpu.CompilerParams(
            needs_layout_passes=False, use_tc_tiling_on_sc=False),
        out_type=jax.ShapeDtypeStruct((2 * npad, 2 * _HALF), jnp.float32),
        scratch_types=[
            pltpu.VMEM((2 * _SB,), jnp.int32),
            pltpu.VMEM((2 * _SB,), jnp.float32),
            pltpu.VMEM((_C, _HALF), jnp.float32),
            pltpu.VMEM((_C, _HALF), jnp.float32),
            pltpu.VMEM((_C, 2 * _HALF), jnp.float32),
            pltpu.VMEM((_C, 2 * _HALF), jnp.float32),
            pltpu.VMEM_SHARED((npad, 2 * _HALF), jnp.float32),
            pltpu.SemaphoreType.DMA,
            pltpu.SemaphoreType.DMA,
            pltpu.SemaphoreType.DMA,
            pltpu.SemaphoreType.DMA,
        ],
    )
    def sck(h2_hbm, meta_hbm, wmeta_hbm, z_hbm, out_hbm,
            mbuf, wbuf, rows0, rows1, upd0, upd1, acc,
            sg0, sg1, ss0, ss1):
        cid = lax.axis_index("c")
        sid = lax.axis_index("s")

        def gidx(k):
            return mbuf.at[pl.ds(k * _C, _C)]

        def didx(k):
            return mbuf.at[pl.ds(_SB + k * _C, _C)]

        def issue_gather(k, rref, sem):
            pltpu.async_copy(h2_hbm.at[gidx(k)], rref, sem)

        def wait_gather(rref, sem):
            pltpu.make_async_copy(h2_hbm.at[gidx(0)], rref, sem).wait()

        def issue_scatter(k, uref, sem):
            pltpu.async_copy(uref, acc.at[didx(k)], sem, add=True)

        def wait_scatter(uref, sem):
            pltpu.make_async_copy(uref, acc.at[didx(0)], sem).wait()

        def compute(k, rref, uref):
            so = k * _C
            po = _SB + k * _C

            def ebody(e, c2):
                sws = plsc.load_gather(wbuf, [jnp.full((16,), so + e, jnp.int32)])
                pws = plsc.load_gather(wbuf, [jnp.full((16,), po + e, jnp.int32)])
                for j in range(_HALF // 16):
                    r = rref[e, pl.ds(16 * j, 16)]
                    uref[e, pl.ds(16 * j, 16)] = r * sws
                    uref[e, pl.ds(_HALF + 16 * j, 16)] = r * pws
                return c2
            lax.fori_loop(0, _C, ebody, 0)

        pltpu.sync_copy(z_hbm, acc.at[pl.ds(sid * rpt, rpt)])
        plsc.subcore_barrier()

        def superchunk(t, carry):
            moff = ((cid * _NS + sid) * nsc + t) * (2 * _SB)
            woff = (sid * nsc + t) * (2 * _SB)
            pltpu.sync_copy(meta_hbm.at[pl.ds(moff, 2 * _SB)], mbuf)
            pltpu.sync_copy(wmeta_hbm.at[pl.ds(woff, 2 * _SB)], wbuf)

            issue_gather(0, rows0, sg0)
            issue_gather(1, rows1, sg1)
            wait_gather(rows0, sg0)
            compute(0, rows0, upd0)
            issue_scatter(0, upd0, ss0)
            issue_gather(2, rows0, sg0)
            wait_gather(rows1, sg1)
            compute(1, rows1, upd1)
            issue_scatter(1, upd1, ss1)

            def pair(m, c2):
                k0 = 2 + 2 * m
                issue_gather(k0 + 1, rows1, sg1)
                wait_scatter(upd0, ss0)
                wait_gather(rows0, sg0)
                compute(k0, rows0, upd0)
                issue_scatter(k0, upd0, ss0)

                @pl.when(k0 < S - 2)
                def _():
                    issue_gather(k0 + 2, rows0, sg0)
                wait_scatter(upd1, ss1)
                wait_gather(rows1, sg1)
                compute(k0 + 1, rows1, upd1)
                issue_scatter(k0 + 1, upd1, ss1)
                return c2
            lax.fori_loop(0, (S - 2) // 2, pair, 0)

            wait_scatter(upd0, ss0)
            wait_scatter(upd1, ss1)
            return carry
        lax.fori_loop(0, nsc, superchunk, 0)

        plsc.subcore_barrier()
        pltpu.sync_copy(acc.at[pl.ds(sid * rpt, rpt)],
                        out_hbm.at[pl.ds(cid * npad + sid * rpt, rpt)])

    return sck(h2, meta, wmeta, zeros)


def _tc_layer(acc3, w, b2, n_nodes, mid):
    nb = 1000
    grid = (n_nodes // nb,)

    def body(acc_ref, w_ref, b_ref, out_ref):
        a0 = acc_ref[0]
        a1 = acc_ref[1]
        res = jnp.concatenate([a0[:, :_HALF], a1[:, :_HALF]], axis=1)
        ppi = jnp.concatenate([a0[:, _HALF:], a1[:, _HALF:]], axis=1)
        hn = lax.dot_general(ppi, w_ref[...], (((1,), (1,)), ((), ())),
                             preferred_element_type=jnp.float32)
        hn = jnp.maximum(hn + b_ref[...], 0.0) + res
        if mid:
            out_ref[0] = hn[:, :_HALF]
            out_ref[1] = hn[:, _HALF:]
        else:
            out_ref[...] = hn

    in_specs = [
        pl.BlockSpec((2, nb, 2 * _HALF), lambda i: (0, i, 0)),
        pl.BlockSpec((2 * _HALF, 2 * _HALF), lambda i: (0, 0)),
        pl.BlockSpec((1, 2 * _HALF), lambda i: (0, 0)),
    ]
    if mid:
        out_spec = pl.BlockSpec((2, nb, _HALF), lambda i: (0, i, 0))
        out_shape = jax.ShapeDtypeStruct((2, n_nodes, _HALF), jnp.float32)
    else:
        out_spec = pl.BlockSpec((nb, 2 * _HALF), lambda i: (i, 0))
        out_shape = jax.ShapeDtypeStruct((n_nodes, 2 * _HALF), jnp.float32)
    return pl.pallas_call(body, grid=grid, in_specs=in_specs,
                          out_specs=out_spec, out_shape=out_shape)(acc3, w, b2)


def kernel(h, edge_index, ppi_w, self_w, W, b):
    n_nodes, d = h.shape
    n_layers = W.shape[0]
    n_edges = edge_index.shape[1]
    src = edge_index[0]
    dst = edge_index[1]

    eps = n_edges // _NS
    nsc = eps // _SB
    h2 = jnp.concatenate([h[:, :_HALF], h[:, _HALF:]], axis=0)
    gs = src.reshape(_NS, nsc, _SB)
    ds_ = dst.reshape(_NS, nsc, _SB)
    meta = jnp.stack([jnp.stack([gs, ds_], axis=2),
                      jnp.stack([gs + n_nodes, ds_], axis=2)]).reshape(-1)
    npad = -(-n_nodes // (_NS * 8)) * (_NS * 8)
    zeros = jnp.zeros((npad // _NS, d), jnp.float32)
    out = None
    for i in range(n_layers):
        wmeta = jnp.stack([self_w[i].reshape(_NS, nsc, _SB),
                           ppi_w[i].reshape(_NS, nsc, _SB)], axis=2).reshape(-1)
        accf = _sc_layer(h2, meta, wmeta, zeros, n_nodes, n_edges)
        acc3 = accf.reshape(2, npad, d)
        b2 = b[i].reshape(1, d)
        if i + 1 < n_layers:
            h2 = _tc_layer(acc3, W[i], b2, n_nodes, True).reshape(2 * n_nodes, _HALF)
        else:
            out = _tc_layer(acc3, W[i], b2, n_nodes, False)
    return out

# --- scband reference (transcript-rebuilt; emitter-appended) ---
"""Pipeline reference for scband-gcn-net-57423712747784 (READ-ONLY COPY).

The authoritative reference and input builder live on the scoring server;
editing this copy changes nothing except your own understanding.
"""

import jax, jax.numpy as jnp
import numpy as np

N = 10000
E = 320000
D = 128
L = 2


def setup_inputs(seed: int = 0) -> dict:
    key = jax.random.key(seed)
    ks = jax.random.split(key, 6)
    h = jax.random.normal(ks[0], (N, D), dtype=jnp.float32)
    edge_index = jax.random.randint(ks[1], (2, E), 0, N, dtype=jnp.int32)
    ppi_w = jax.random.uniform(ks[2], (L, E), dtype=jnp.float32)
    self_w = jax.random.uniform(ks[3], (L, E), dtype=jnp.float32)
    W = jax.random.normal(ks[4], (L, D, D), dtype=jnp.float32) * (1.0 / np.sqrt(D))
    b = jnp.zeros((L, D), dtype=jnp.float32)
    return {"h": h, "edge_index": edge_index, "ppi_w": ppi_w, "self_w": self_w, "W": W, "b": b}


def reference(h, edge_index, ppi_w, self_w, W, b):
    # GcnNet.forward: for each layer i,
    #   res     = sum_{e:(u->v)} h[u] * self_w[i][e]   (residual message passing)
    #   ppi_out = sum_{e:(u->v)} h[u] * ppi_w[i][e]
    #   h       = dropout(relu(linear(ppi_out))) + res   (dropout = identity in eval)
    src = edge_index[0]
    dst = edge_index[1]
    for i in range(L):
        hs = h[src]  # gather [E, D]
        res = jax.ops.segment_sum(hs * self_w[i][:, None], dst, num_segments=N)
        ppi_out = jax.ops.segment_sum(hs * ppi_w[i][:, None], dst, num_segments=N)
        h = jax.nn.relu(ppi_out @ W[i].T + b[i]) + res
    return h

if __name__ == "__main__":
    import jax
    _d = setup_inputs()
    print(jax.jit(kernel)(*tuple(_d.values())))

</pallas_src>

<mosaic_0001>
#map = affine_map<(d0, d1) -> (0, 0)>
#map1 = affine_map<(d0, d1) -> (0)>
module attributes {stable_mosaic.version = 14 : i64} {
  func.func @sck(%arg0: i32, %arg1: i32, %arg2: memref<20000x64xf32, #tpu.memory_space<hbm>>, %arg3: memref<1280000xi32, #tpu.memory_space<hbm>>, %arg4: memref<640000xf32, #tpu.memory_space<hbm>>, %arg5: memref<632x128xf32, #tpu.memory_space<hbm>>, %arg6: memref<20224x128xf32, #tpu.memory_space<hbm>>, %arg7: memref<8000xi32, #tpu.memory_space<vmem>>, %arg8: memref<8000xf32, #tpu.memory_space<vmem>>, %arg9: memref<80x64xf32, #tpu.memory_space<vmem>>, %arg10: memref<80x64xf32, #tpu.memory_space<vmem>>, %arg11: memref<80x128xf32, #tpu.memory_space<vmem>>, %arg12: memref<80x128xf32, #tpu.memory_space<vmem>>, %arg13: memref<10112x128xf32, #tpu.memory_space<vmem_shared>>, %arg14: memref<!tpu.dma_semaphore, #tpu.memory_space<semaphore_mem>>, %arg15: memref<!tpu.dma_semaphore, #tpu.memory_space<semaphore_mem>>, %arg16: memref<!tpu.dma_semaphore, #tpu.memory_space<semaphore_mem>>, %arg17: memref<!tpu.dma_semaphore, #tpu.memory_space<semaphore_mem>>) attributes {dimension_semantics = [#tpu.dimension_semantics<core_parallel>, #tpu.dimension_semantics<subcore_parallel>], iteration_bounds = array<i64: 2, 16>, scalar_prefetch = 0 : i64, scratch_operands = 11 : i64, tpu.core_type = #tpu.core_type<sc_vector_subcore>, window_params = [{transform_indices = #map}, {transform_indices = #map1}, {transform_indices = #map1}, {transform_indices = #map}, {transform_indices = #map}]} {
    %mul3A = arith.constant 632 : i32
    %mul3A_0 = arith.muli %arg1, %mul3A : i32
    "tpu.region"() ({
      %run_scoped3A = tpu.sem_alloc : memref<!tpu.dma_semaphore, #tpu.memory_space<semaphore_mem>>
      %dma_start3A = arith.constant 0 : i32
      %dma_start3A_13 = tpu.memref_slice %arg13[%mul3A_0, %dma_start3A] : memref<10112x128xf32, #tpu.memory_space<vmem_shared>> -> memref<632x128xf32, #tpu.memory_space<vmem_shared>>
      tpu.enqueue_dma source(%arg5 : memref<632x128xf32, #tpu.memory_space<hbm>>) target(%dma_start3A_13 : memref<632x128xf32, #tpu.memory_space<vmem_shared>>) target_semaphore(%run_scoped3A : memref<!tpu.dma_semaphore, #tpu.memory_space<semaphore_mem>>)
      %dma_wait3A = arith.constant 0 : i32
      %dma_wait3A_14 = tpu.memref_slice %arg13[%mul3A_0, %dma_wait3A] : memref<10112x128xf32, #tpu.memory_space<vmem_shared>> -> memref<632x128xf32, #tpu.memory_space<vmem_shared>>
      tpu.wait_dma2 semaphore(%run_scoped3A : memref<!tpu.dma_semaphore, #tpu.memory_space<semaphore_mem>>) src(%arg5 : memref<632x128xf32, #tpu.memory_space<hbm>>) dst(%dma_wait3A_14 : memref<632x128xf32, #tpu.memory_space<vmem_shared>>)
      tpu.yield
    }) : () -> ()
    %barrier3A = arith.constant 0 : index
    tpu.barrier barrier_id(%barrier3A)
    %scan3A = arith.constant 0 : i32
    %scan3A_1 = arith.constant 0 : i32
    %scan3A_2 = arith.constant 5 : i32
    %scan3A_3 = arith.addi %scan3A_1, %scan3A_2 : i32
    %scan3A_4 = arith.constant 1 : i32
    scf.for %scan3A_13 = %scan3A_1 to %scan3A_3 step %scan3A_4  : i32 {
      %mul3A_14 = arith.constant 16 : i32
      %mul3A_15 = arith.muli %arg0, %mul3A_14 : i32
      %add3A_16 = arith.addi %mul3A_15, %arg1 : i32
      %mul3A_17 = arith.constant 5 : i32
      %mul3A_18 = arith.muli %add3A_16, %mul3A_17 : i32
      %add3A_19 = arith.addi %mul3A_18, %scan3A_13 : i32
      %mul3A_20 = arith.constant 8000 : i32
      %mul3A_21 = arith.muli %add3A_19, %mul3A_20 : i32
      %mul3A_22 = arith.constant 5 : i32
      %mul3A_23 = arith.muli %arg1, %mul3A_22 : i32
      %add3A_24 = arith.addi %mul3A_23, %scan3A_13 : i32
      %mul3A_25 = arith.constant 8000 : i32
      %mul3A_26 = arith.muli %add3A_24, %mul3A_25 : i32
      "tpu.region"() ({
        %run_scoped3A = tpu.sem_alloc : memref<!tpu.dma_semaphore, #tpu.memory_space<semaphore_mem>>
        %dma_start3A_88 = tpu.memref_slice %arg3[%mul3A_21] : memref<1280000xi32, #tpu.memory_space<hbm>> -> memref<8000xi32, #tpu.memory_space<hbm>>
        %dma_start3A_89 = tpu.memref_slice %arg3[%mul3A_21] : memref<1280000xi32, #tpu.memory_space<hbm>> -> memref<8000xi32, #tpu.memory_space<hbm>>
        tpu.enqueue_dma source(%dma_start3A_89 : memref<8000xi32, #tpu.memory_space<hbm>>) target(%arg7 : memref<8000xi32, #tpu.memory_space<vmem>>) target_semaphore(%run_scoped3A : memref<!tpu.dma_semaphore, #tpu.memory_space<semaphore_mem>>)
        %dma_wait3A_90 = tpu.memref_slice %arg3[%mul3A_21] : memref<1280000xi32, #tpu.memory_space<hbm>> -> memref<8000xi32, #tpu.memory_space<hbm>>
        %dma_wait3A_91 = tpu.memref_slice %arg3[%mul3A_21] : memref<1280000xi32, #tpu.memory_space<hbm>> -> memref<8000xi32, #tpu.memory_space<hbm>>
        tpu.wait_dma2 semaphore(%run_scoped3A : memref<!tpu.dma_semaphore, #tpu.memory_space<semaphore_mem>>) src(%dma_wait3A_91 : memref<8000xi32, #tpu.memory_space<hbm>>) dst(%arg7 : memref<8000xi32, #tpu.memory_space<vmem>>)
        tpu.yield
      }) : () -> ()
      "tpu.region"() ({
        %run_scoped3A = tpu.sem_alloc : memref<!tpu.dma_semaphore, #tpu.memory_space<semaphore_mem>>
        %dma_start3A_88 = tpu.memref_slice %arg4[%mul3A_26] : memref<640000xf32, #tpu.memory_space<hbm>> -> memref<8000xf32, #tpu.memory_space<hbm>>
        %dma_start3A_89 = tpu.memref_slice %arg4[%mul3A_26] : memref<640000xf32, #tpu.memory_space<hbm>> -> memref<8000xf32, #tpu.memory_space<hbm>>
        tpu.enqueue_dma source(%dma_start3A_89 : memref<8000xf32, #tpu.memory_space<hbm>>) target(%arg8 : memref<8000xf32, #tpu.memory_space<vmem>>) target_semaphore(%run_scoped3A : memref<!tpu.dma_semaphore, #tpu.memory_space<semaphore_mem>>)
        %dma_wait3A_90 = tpu.memref_slice %arg4[%mul3A_26] : memref<640000xf32, #tpu.memory_space<hbm>> -> memref<8000xf32, #tpu.memory_space<hbm>>
        %dma_wait3A_91 = tpu.memref_slice %arg4[%mul3A_26] : memref<640000xf32, #tpu.memory_space<hbm>> -> memref<8000xf32, #tpu.memory_space<hbm>>
        tpu.wait_dma2 semaphore(%run_scoped3A : memref<!tpu.dma_semaphore, #tpu.memory_space<semaphore_mem>>) src(%dma_wait3A_91 : memref<8000xf32, #tpu.memory_space<hbm>>) dst(%arg8 : memref<8000xf32, #tpu.memory_space<vmem>>)
        tpu.yield
      }) : () -> ()
      %dma_start3A = arith.constant 0 : i32
      %dma_start3A_27 = tpu.memref_slice %arg7[%dma_start3A] : memref<8000xi32, #tpu.memory_space<vmem>> -> memref<80xi32, #tpu.memory_space<vmem>>
      %dma_start3A_28 = arith.constant 0 : i32
      %dma_start3A_29 = arith.constant 0 : i32
      %dma_start3A_30 = tpu.memref_slice %arg2[%dma_start3A_28, %dma_start3A_29] : memref<20000x64xf32, #tpu.memory_space<hbm>> -> memref<20000x64xf32, #tpu.memory_space<hbm>>
      tpu.enqueue_indirect_dma source(%dma_start3A_30 : memref<20000x64xf32, #tpu.memory_space<hbm>>) target(%arg9 : memref<80x64xf32, #tpu.memory_space<vmem>>) offsets(%dma_start3A_27 : memref<80xi32, #tpu.memory_space<vmem>>) semaphore(%arg14 : memref<!tpu.dma_semaphore, #tpu.memory_space<semaphore_mem>>)
      %dma_start3A_31 = arith.constant 80 : i32
      %dma_start3A_32 = tpu.memref_slice %arg7[%dma_start3A_31] : memref<8000xi32, #tpu.memory_space<vmem>> -> memref<80xi32, #tpu.memory_space<vmem>>
      %dma_start3A_33 = arith.constant 0 : i32
      %dma_start3A_34 = arith.constant 0 : i32
      %dma_start3A_35 = tpu.memref_slice %arg2[%dma_start3A_33, %dma_start3A_34] : memref<20000x64xf32, #tpu.memory_space<hbm>> -> memref<20000x64xf32, #tpu.memory_space<hbm>>
      tpu.enqueue_indirect_dma source(%dma_start3A_35 : memref<20000x64xf32, #tpu.memory_space<hbm>>) target(%arg10 : memref<80x64xf32, #tpu.memory_space<vmem>>) offsets(%dma_start3A_32 : memref<80xi32, #tpu.memory_space<vmem>>) semaphore(%arg15 : memref<!tpu.dma_semaphore, #tpu.memory_space<semaphore_mem>>)
      %dma_wait3A = arith.constant 0 : i32
      %dma_wait3A_36 = tpu.memref_slice %arg7[%dma_wait3A] : memref<8000xi32, #tpu.memory_space<vmem>> -> memref<80xi32, #tpu.memory_space<vmem>>
      %dma_wait3A_37 = arith.constant 0 : i32
      %dma_wait3A_38 = arith.constant 0 : i32
      %dma_wait3A_39 = tpu.memref_slice %arg2[%dma_wait3A_37, %dma_wait3A_38] : memref<20000x64xf32, #tpu.memory_space<hbm>> -> memref<20000x64xf32, #tpu.memory_space<hbm>>
      tpu.wait_indirect_dma semaphore(%arg14 : memref<!tpu.dma_semaphore, #tpu.memory_space<semaphore_mem>>) src(%dma_wait3A_39 : memref<20000x64xf32, #tpu.memory_space<hbm>>) dst(%arg9 : memref<80x64xf32, #tpu.memory_space<vmem>>)
      %scan3A_40 = arith.constant 0 : i32
      %scan3A_41 = arith.constant 0 : i32
      %scan3A_42 = arith.constant 80 : i32
      %scan3A_43 = arith.addi %scan3A_41, %scan3A_42 : i32
      %scan3A_44 = arith.constant 1 : i32
      scf.for %scan3A_88 = %scan3A_41 to %scan3A_43 step %scan3A_44  : i32 {
        %add3A_89 = arith.constant 0 : i32
        %add3A_90 = arith.addi %add3A_89, %scan3A_88 : i32
        %broadcast_in_dim3A = vector.broadcast %add3A_90 : i32 to vector<16xi32>
        %gather3A = tpu.vector_load_idx %arg8[%broadcast_in_dim3A] : memref<8000xf32, #tpu.memory_space<vmem>>[vector<16xi32>], vector<16xf32>,
        %add3A_91 = arith.constant 4000 : i32
        %add3A_92 = arith.addi %add3A_91, %scan3A_88 : i32
        %broadcast_in_dim3A_93 = vector.broadcast %add3A_92 : i32 to vector<16xi32>
        %gather3A_94 = tpu.vector_load_idx %arg8[%broadcast_in_dim3A_93] : memref<8000xf32, #tpu.memory_space<vmem>>[vector<16xi32>], vector<16xf32>,
        %get3A = arith.index_cast %scan3A_88 : i32 to index
        %get3A_95 = arith.constant 0 : index
        %get3A_96 = tpu.vector_load %arg9[%get3A, %get3A_95] {strides = array<i32>} : memref<80x64xf32, #tpu.memory_space<vmem>>, vector<16xf32>,
        %mul3A_97 = arith.mulf %get3A_96, %gather3A : vector<16xf32>
        %swap3A = arith.index_cast %scan3A_88 : i32 to index
        %swap3A_98 = arith.constant 0 : index
        %swap3A_99 = tpu.vector_load %arg11[%swap3A, %swap3A_98] {strides = array<i32>} : memref<80x128xf32, #tpu.memory_space<vmem>>, vector<16xf32>,
        tpu.vector_store %arg11[%swap3A, %swap3A_98], %mul3A_97 {strides = array<i32>} : memref<80x128xf32, #tpu.memory_space<vmem>>, vector<16xf32>,
        %mul3A_100 = arith.mulf %get3A_96, %gather3A_94 : vector<16xf32>
        %swap3A_101 = arith.index_cast %scan3A_88 : i32 to index
        %swap3A_102 = arith.constant 64 : index
        %swap3A_103 = tpu.vector_load %arg11[%swap3A_101, %swap3A_102] {strides = array<i32>} : memref<80x128xf32, #tpu.memory_space<vmem>>, vector<16xf32>,
        tpu.vector_store %arg11[%swap3A_101, %swap3A_102], %mul3A_100 {strides = array<i32>} : memref<80x128xf32, #tpu.memory_space<vmem>>, vector<16xf32>,
        %get3A_104 = arith.index_cast %scan3A_88 : i32 to index
        %get3A_105 = arith.constant 16 : index
        %get3A_106 = tpu.vector_load %arg9[%get3A_104, %get3A_105] {strides = array<i32>} : memref<80x64xf32, #tpu.memory_space<vmem>>, vector<16xf32>,
        %mul3A_107 = arith.mulf %get3A_106, %gather3A : vector<16xf32>
        %swap3A_108 = arith.index_cast %scan3A_88 : i32 to index
        %swap3A_109 = arith.constant 16 : index
        %swap3A_110 = tpu.vector_load %arg11[%swap3A_108, %swap3A_109] {strides = array<i32>} : memref<80x128xf32, #tpu.memory_space<vmem>>, vector<16xf32>,
        tpu.vector_store %arg11[%swap3A_108, %swap3A_109], %mul3A_107 {strides = array<i32>} : memref<80x128xf32, #tpu.memory_space<vmem>>, vector<16xf32>,
        %mul3A_111 = arith.mulf %get3A_106, %gather3A_94 : vector<16xf32>
        %swap3A_112 = arith.index_cast %scan3A_88 : i32 to index
        %swap3A_113 = arith.constant 80 : index
        %swap3A_114 = tpu.vector_load %arg11[%swap3A_112, %swap3A_113] {strides = array<i32>} : memref<80x128xf32, #tpu.memory_space<vmem>>, vector<16xf32>,
        tpu.vector_store %arg11[%swap3A_112, %swap3A_113], %mul3A_111 {strides = array<i32>} : memref<80x128xf32, #tpu.memory_space<vmem>>, vector<16xf32>,
        %get3A_115 = arith.index_cast %scan3A_88 : i32 to index
        %get3A_116 = arith.constant 32 : index
        %get3A_117 = tpu.vector_load %arg9[%get3A_115, %get3A_116] {strides = array<i32>} : memref<80x64xf32, #tpu.memory_space<vmem>>, vector<16xf32>,
        %mul3A_118 = arith.mulf %get3A_117, %gather3A : vector<16xf32>
        %swap3A_119 = arith.index_cast %scan3A_88 : i32 to index
        %swap3A_120 = arith.constant 32 : index
        %swap3A_121 = tpu.vector_load %arg11[%swap3A_119, %swap3A_120] {strides = array<i32>} : memref<80x128xf32, #tpu.memory_space<vmem>>, vector<16xf32>,
        tpu.vector_store %arg11[%swap3A_119, %swap3A_120], %mul3A_118 {strides = array<i32>} : memref<80x128xf32, #tpu.memory_space<vmem>>, vector<16xf32>,
        %mul3A_122 = arith.mulf %get3A_117, %gather3A_94 : vector<16xf32>
        %swap3A_123 = arith.index_cast %scan3A_88 : i32 to index
        %swap3A_124 = arith.constant 96 : index
        %swap3A_125 = tpu.vector_load %arg11[%swap3A_123, %swap3A_124] {strides = array<i32>} : memref<80x128xf32, #tpu.memory_space<vmem>>, vector<16xf32>,
        tpu.vector_store %arg11[%swap3A_123, %swap3A_124], %mul3A_122 {strides = array<i32>} : memref<80x128xf32, #tpu.memory_space<vmem>>, vector<16xf32>,
        %get3A_126 = arith.index_cast %scan3A_88 : i32 to index
        %get3A_127 = arith.constant 48 : index
        %get3A_128 = tpu.vector_load %arg9[%get3A_126, %get3A_127] {strides = array<i32>} : memref<80x64xf32, #tpu.memory_space<vmem>>, vector<16xf32>,
        %mul3A_129 = arith.mulf %get3A_128, %gather3A : vector<16xf32>
        %swap3A_130 = arith.index_cast %scan3A_88 : i32 to index
        %swap3A_131 = arith.constant 48 : index
        %swap3A_132 = tpu.vector_load %arg11[%swap3A_130, %swap3A_131] {strides = array<i32>} : memref<80x128xf32, #tpu.memory_space<vmem>>, vector<16xf32>,
        tpu.vector_store %arg11[%swap3A_130, %swap3A_131], %mul3A_129 {strides = array<i32>} : memref<80x128xf32, #tpu.memory_space<vmem>>, vector<16xf32>,
        %mul3A_133 = arith.mulf %get3A_128, %gather3A_94 : vector<16xf32>
        %swap3A_134 = arith.index_cast %scan3A_88 : i32 to index
        %swap3A_135 = arith.constant 112 : index
        %swap3A_136 = tpu.vector_load %arg11[%swap3A_134, %swap3A_135] {strides = array<i32>} : memref<80x128xf32, #tpu.memory_space<vmem>>, vector<16xf32>,
        tpu.vector_store %arg11[%swap3A_134, %swap3A_135], %mul3A_133 {strides = array<i32>} : memref<80x128xf32, #tpu.memory_space<vmem>>, vector<16xf32>,
      }
      %scan3A_45 = arith.constant 80 : i32
      %dma_start3A_46 = arith.constant 4000 : i32
      %dma_start3A_47 = tpu.memref_slice %arg7[%dma_start3A_46] : memref<8000xi32, #tpu.memory_space<vmem>> -> memref<80xi32, #tpu.memory_space<vmem>>
      %dma_start3A_48 = arith.constant 0 : i32
      %dma_start3A_49 = arith.constant 0 : i32
      %dma_start3A_50 = tpu.memref_slice %arg13[%dma_start3A_48, %dma_start3A_49] : memref<10112x128xf32, #tpu.memory_space<vmem_shared>> -> memref<10112x128xf32, #tpu.memory_space<vmem_shared>>
      tpu.enqueue_indirect_dma source(%arg11 : memref<80x128xf32, #tpu.memory_space<vmem>>) target(%dma_start3A_50 : memref<10112x128xf32, #tpu.memory_space<vmem_shared>>) offsets(%dma_start3A_47 : memref<80xi32, #tpu.memory_space<vmem>>) semaphore(%arg16 : memref<!tpu.dma_semaphore, #tpu.memory_space<semaphore_mem>>) {add = true}
      %dma_start3A_51 = arith.constant 160 : i32
      %dma_start3A_52 = tpu.memref_slice %arg7[%dma_start3A_51] : memref<8000xi32, #tpu.memory_space<vmem>> -> memref<80xi32, #tpu.memory_space<vmem>>
      %dma_start3A_53 = arith.constant 0 : i32
      %dma_start3A_54 = arith.constant 0 : i32
      %dma_start3A_55 = tpu.memref_slice %arg2[%dma_start3A_53, %dma_start3A_54] : memref<20000x64xf32, #tpu.memory_space<hbm>> -> memref<20000x64xf32, #tpu.memory_space<hbm>>
      tpu.enqueue_indirect_dma source(%dma_start3A_55 : memref<20000x64xf32, #tpu.memory_space<hbm>>) target(%arg9 : memref<80x64xf32, #tpu.memory_space<vmem>>) offsets(%dma_start3A_52 : memref<80xi32, #tpu.memory_space<vmem>>) semaphore(%arg14 : memref<!tpu.dma_semaphore, #tpu.memory_space<semaphore_mem>>)
      %dma_wait3A_56 = arith.constant 0 : i32
      %dma_wait3A_57 = tpu.memref_slice %arg7[%dma_wait3A_56] : memref<8000xi32, #tpu.memory_space<vmem>> -> memref<80xi32, #tpu.memory_space<vmem>>
      %dma_wait3A_58 = arith.constant 0 : i32
      %dma_wait3A_59 = arith.constant 0 : i32
      %dma_wait3A_60 = tpu.memref_slice %arg2[%dma_wait3A_58, %dma_wait3A_59] : memref<20000x64xf32, #tpu.memory_space<hbm>> -> memref<20000x64xf32, #tpu.memory_space<hbm>>
      tpu.wait_indirect_dma semaphore(%arg15 : memref<!tpu.dma_semaphore, #tpu.memory_space<semaphore_mem>>) src(%dma_wait3A_60 : memref<20000x64xf32, #tpu.memory_space<hbm>>) dst(%arg10 : memref<80x64xf32, #tpu.memory_space<vmem>>)
      %scan3A_61 = arith.constant 0 : i32
      %scan3A_62 = arith.constant 0 : i32
      %scan3A_63 = arith.constant 80 : i32
      %scan3A_64 = arith.addi %scan3A_62, %scan3A_63 : i32
      %scan3A_65 = arith.constant 1 : i32
      scf.for %scan3A_88 = %scan3A_62 to %scan3A_64 step %scan3A_65  : i32 {
        %add3A_89 = arith.constant 80 : i32
        %add3A_90 = arith.addi %add3A_89, %scan3A_88 : i32
        %broadcast_in_dim3A = vector.broadcast %add3A_90 : i32 to vector<16xi32>
        %gather3A = tpu.vector_load_idx %arg8[%broadcast_in_dim3A] : memref<8000xf32, #tpu.memory_space<vmem>>[vector<16xi32>], vector<16xf32>,
        %add3A_91 = arith.constant 4080 : i32
        %add3A_92 = arith.addi %add3A_91, %scan3A_88 : i32
        %broadcast_in_dim3A_93 = vector.broadcast %add3A_92 : i32 to vector<16xi32>
        %gather3A_94 = tpu.vector_load_idx %arg8[%broadcast_in_dim3A_93] : memref<8000xf32, #tpu.memory_space<vmem>>[vector<16xi32>], vector<16xf32>,
        %get3A = arith.index_cast %scan3A_88 : i32 to index
        %get3A_95 = arith.constant 0 : index
        %get3A_96 = tpu.vector_load %arg10[%get3A, %get3A_95] {strides = array<i32>} : memref<80x64xf32, #tpu.memory_space<vmem>>, vector<16xf32>,
        %mul3A_97 = arith.mulf %get3A_96, %gather3A : vector<16xf32>
        %swap3A = arith.index_cast %scan3A_88 : i32 to index
        %swap3A_98 = arith.constant 0 : index
        %swap3A_99 = tpu.vector_load %arg12[%swap3A, %swap3A_98] {strides = array<i32>} : memref<80x128xf32, #tpu.memory_space<vmem>>, vector<16xf32>,
        tpu.vector_store %arg12[%swap3A, %swap3A_98], %mul3A_97 {strides = array<i32>} : memref<80x128xf32, #tpu.memory_space<vmem>>, vector<16xf32>,
        %mul3A_100 = arith.mulf %get3A_96, %gather3A_94 : vector<16xf32>
        %swap3A_101 = arith.index_cast %scan3A_88 : i32 to index
        %swap3A_102 = arith.constant 64 : index
        %swap3A_103 = tpu.vector_load %arg12[%swap3A_101, %swap3A_102] {strides = array<i32>} : memref<80x128xf32, #tpu.memory_space<vmem>>, vector<16xf32>,
        tpu.vector_store %arg12[%swap3A_101, %swap3A_102], %mul3A_100 {strides = array<i32>} : memref<80x128xf32, #tpu.memory_space<vmem>>, vector<16xf32>,
        %get3A_104 = arith.index_cast %scan3A_88 : i32 to index
        %get3A_105 = arith.constant 16 : index
        %get3A_106 = tpu.vector_load %arg10[%get3A_104, %get3A_105] {strides = array<i32>} : memref<80x64xf32, #tpu.memory_space<vmem>>, vector<16xf32>,
        %mul3A_107 = arith.mulf %get3A_106, %gather3A : vector<16xf32>
        %swap3A_108 = arith.index_cast %scan3A_88 : i32 to index
        %swap3A_109 = arith.constant 16 : index
        %swap3A_110 = tpu.vector_load %arg12[%swap3A_108, %swap3A_109] {strides = array<i32>} : memref<80x128xf32, #tpu.memory_space<vmem>>, vector<16xf32>,
        tpu.vector_store %arg12[%swap3A_108, %swap3A_109], %mul3A_107 {strides = array<i32>} : memref<80x128xf32, #tpu.memory_space<vmem>>, vector<16xf32>,
        %mul3A_111 = arith.mulf %get3A_106, %gather3A_94 : vector<16xf32>
        %swap3A_112 = arith.index_cast %scan3A_88 : i32 to index
        %swap3A_113 = arith.constant 80 : index
        %swap3A_114 = tpu.vector_load %arg12[%swap3A_112, %swap3A_113] {strides = array<i32>} : memref<80x128xf32, #tpu.memory_space<vmem>>, vector<16xf32>,
        tpu.vector_store %arg12[%swap3A_112, %swap3A_113], %mul3A_111 {strides = array<i32>} : memref<80x128xf32, #tpu.memory_space<vmem>>, vector<16xf32>,
        %get3A_115 = arith.index_cast %scan3A_88 : i32 to index
        %get3A_116 = arith.constant 32 : index
        %get3A_117 = tpu.vector_load %arg10[%get3A_115, %get3A_116] {strides = array<i32>} : memref<80x64xf32, #tpu.memory_space<vmem>>, vector<16xf32>,
        %mul3A_118 = arith.mulf %get3A_117, %gather3A : vector<16xf32>
        %swap3A_119 = arith.index_cast %scan3A_88 : i32 to index
        %swap3A_120 = arith.constant 32 : index
        %swap3A_121 = tpu.vector_load %arg12[%swap3A_119, %swap3A_120] {strides = array<i32>} : memref<80x128xf32, #tpu.memory_space<vmem>>, vector<16xf32>,
        tpu.vector_store %arg12[%swap3A_119, %swap3A_120], %mul3A_118 {strides = array<i32>} : memref<80x128xf32, #tpu.memory_space<vmem>>, vector<16xf32>,
        %mul3A_122 = arith.mulf %get3A_117, %gather3A_94 : vector<16xf32>
        %swap3A_123 = arith.index_cast %scan3A_88 : i32 to index
        %swap3A_124 = arith.constant 96 : index
        %swap3A_125 = tpu.vector_load %arg12[%swap3A_123, %swap3A_124] {strides = array<i32>} : memref<80x128xf32, #tpu.memory_space<vmem>>, vector<16xf32>,
        tpu.vector_store %arg12[%swap3A_123, %swap3A_124], %mul3A_122 {strides = array<i32>} : memref<80x128xf32, #tpu.memory_space<vmem>>, vector<16xf32>,
        %get3A_126 = arith.index_cast %scan3A_88 : i32 to index
        %get3A_127 = arith.constant 48 : index
        %get3A_128 = tpu.vector_load %arg10[%get3A_126, %get3A_127] {strides = array<i32>} : memref<80x64xf32, #tpu.memory_space<vmem>>, vector<16xf32>,
        %mul3A_129 = arith.mulf %get3A_128, %gather3A : vector<16xf32>
        %swap3A_130 = arith.index_cast %scan3A_88 : i32 to index
        %swap3A_131 = arith.constant 48 : index
        %swap3A_132 = tpu.vector_load %arg12[%swap3A_130, %swap3A_131] {strides = array<i32>} : memref<80x128xf32, #tpu.memory_space<vmem>>, vector<16xf32>,
        tpu.vector_store %arg12[%swap3A_130, %swap3A_131], %mul3A_129 {strides = array<i32>} : memref<80x128xf32, #tpu.memory_space<vmem>>, vector<16xf32>,
        %mul3A_133 = arith.mulf %get3A_128, %gather3A_94 : vector<16xf32>
        %swap3A_134 = arith.index_cast %scan3A_88 : i32 to index
        %swap3A_135 = arith.constant 112 : index
        %swap3A_136 = tpu.vector_load %arg12[%swap3A_134, %swap3A_135] {strides = array<i32>} : memref<80x128xf32, #tpu.memory_space<vmem>>, vector<16xf32>,
        tpu.vector_store %arg12[%swap3A_134, %swap3A_135], %mul3A_133 {strides = array<i32>} : memref<80x128xf32, #tpu.memory_space<vmem>>, vector<16xf32>,
      }
      %scan3A_66 = arith.constant 80 : i32
      %dma_start3A_67 = arith.constant 4080 : i32
      %dma_start3A_68 = tpu.memref_slice %arg7[%dma_start3A_67] : memref<8000xi32, #tpu.memory_space<vmem>> -> memref<80xi32, #tpu.memory_space<vmem>>
      %dma_start3A_69 = arith.constant 0 : i32
      %dma_start3A_70 = arith.constant 0 : i32
      %dma_start3A_71 = tpu.memref_slice %arg13[%dma_start3A_69, %dma_start3A_70] : memref<10112x128xf32, #tpu.memory_space<vmem_shared>> -> memref<10112x128xf32, #tpu.memory_space<vmem_shared>>
      tpu.enqueue_indirect_dma source(%arg12 : memref<80x128xf32, #tpu.memory_space<vmem>>) target(%dma_start3A_71 : memref<10112x128xf32, #tpu.memory_space<vmem_shared>>) offsets(%dma_start3A_68 : memref<80xi32, #tpu.memory_space<vmem>>) semaphore(%arg17 : memref<!tpu.dma_semaphore, #tpu.memory_space<semaphore_mem>>) {add = true}
      %scan3A_72 = arith.constant 0 : i32
      %scan3A_73 = arith.constant 0 : i32
      %scan3A_74 = arith.constant 24 : i32
      %scan3A_75 = arith.addi %scan3A_73, %scan3A_74 : i32
      %scan3A_76 = arith.constant 1 : i32
      scf.for %scan3A_88 = %scan3A_73 to %scan3A_75 step %scan3A_76  : i32 {
        %mul3A_89 = arith.constant 2 : i32
        %mul3A_90 = arith.muli %mul3A_89, %scan3A_88 : i32
        %add3A_91 = arith.constant 2 : i32
        %add3A_92 = arith.addi %add3A_91, %mul3A_90 : i32
        %add3A_93 = arith.constant 1 : i32
        %add3A_94 = arith.addi %add3A_92, %add3A_93 : i32
        %mul3A_95 = arith.constant 80 : i32
        %mul3A_96 = arith.muli %add3A_94, %mul3A_95 : i32
        %dma_start3A_97 = tpu.memref_slice %arg7[%mul3A_96] : memref<8000xi32, #tpu.memory_space<vmem>> -> memref<80xi32, #tpu.memory_space<vmem>>
        %dma_start3A_98 = arith.constant 0 : i32
        %dma_start3A_99 = arith.constant 0 : i32
        %dma_start3A_100 = tpu.memref_slice %arg2[%dma_start3A_98, %dma_start3A_99] : memref<20000x64xf32, #tpu.memory_space<hbm>> -> memref<20000x64xf32, #tpu.memory_space<hbm>>
        tpu.enqueue_indirect_dma source(%dma_start3A_100 : memref<20000x64xf32, #tpu.memory_space<hbm>>) target(%arg10 : memref<80x64xf32, #tpu.memory_space<vmem>>) offsets(%dma_start3A_97 : memref<80xi32, #tpu.memory_space<vmem>>) semaphore(%arg15 : memref<!tpu.dma_semaphore, #tpu.memory_space<semaphore_mem>>)
        %dma_wait3A_101 = arith.constant 4000 : i32
        %dma_wait3A_102 = tpu.memref_slice %arg7[%dma_wait3A_101] : memref<8000xi32, #tpu.memory_space<vmem>> -> memref<80xi32, #tpu.memory_space<vmem>>
        %dma_wait3A_103 = arith.constant 0 : i32
        %dma_wait3A_104 = arith.constant 0 : i32
        %dma_wait3A_105 = tpu.memref_slice %arg13[%dma_wait3A_103, %dma_wait3A_104] : memref<10112x128xf32, #tpu.memory_space<vmem_shared>> -> memref<10112x128xf32, #tpu.memory_space<vmem_shared>>
        tpu.wait_indirect_dma semaphore(%arg16 : memref<!tpu.dma_semaphore, #tpu.memory_space<semaphore_mem>>) src(%arg11 : memref<80x128xf32, #tpu.memory_space<vmem>>) dst(%dma_wait3A_105 : memref<10112x128xf32, #tpu.memory_space<vmem_shared>>)
        %dma_wait3A_106 = arith.constant 0 : i32
        %dma_wait3A_107 = tpu.memref_slice %arg7[%dma_wait3A_106] : memref<8000xi32, #tpu.memory_space<vmem>> -> memref<80xi32, #tpu.memory_space<vmem>>
        %dma_wait3A_108 = arith.constant 0 : i32
        %dma_wait3A_109 = arith.constant 0 : i32
        %dma_wait3A_110 = tpu.memref_slice %arg2[%dma_wait3A_108, %dma_wait3A_109] : memref<20000x64xf32, #tpu.memory_space<hbm>> -> memref<20000x64xf32, #tpu.memory_space<hbm>>
        tpu.wait_indirect_dma semaphore(%arg14 : memref<!tpu.dma_semaphore, #tpu.memory_space<semaphore_mem>>) src(%dma_wait3A_110 : memref<20000x64xf32, #tpu.memory_space<hbm>>) dst(%arg9 : memref<80x64xf32, #tpu.memory_space<vmem>>)
        %mul3A_111 = arith.constant 80 : i32
        %mul3A_112 = arith.muli %add3A_92, %mul3A_111 : i32
        %mul3A_113 = arith.constant 80 : i32
        %mul3A_114 = arith.muli %add3A_92, %mul3A_113 : i32
        %add3A_115 = arith.constant 4000 : i32
        %add3A_116 = arith.addi %add3A_115, %mul3A_114 : i32
        %scan3A_117 = arith.constant 0 : i32
        %scan3A_118 = arith.constant 0 : i32
        %scan3A_119 = arith.constant 80 : i32
        %scan3A_120 = arith.addi %scan3A_118, %scan3A_119 : i32
        %scan3A_121 = arith.constant 1 : i32
        scf.for %scan3A_167 = %scan3A_118 to %scan3A_120 step %scan3A_121  : i32 {
          %add3A_168 = arith.addi %mul3A_112, %scan3A_167 : i32
          %broadcast_in_dim3A = vector.broadcast %add3A_168 : i32 to vector<16xi32>
          %gather3A = tpu.vector_load_idx %arg8[%broadcast_in_dim3A] : memref<8000xf32, #tpu.memory_space<vmem>>[vector<16xi32>], vector<16xf32>,
          %add3A_169 = arith.addi %add3A_116, %scan3A_167 : i32
          %broadcast_in_dim3A_170 = vector.broadcast %add3A_169 : i32 to vector<16xi32>
          %gather3A_171 = tpu.vector_load_idx %arg8[%broadcast_in_dim3A_170] : memref<8000xf32, #tpu.memory_space<vmem>>[vector<16xi32>], vector<16xf32>,
          %get3A = arith.index_cast %scan3A_167 : i32 to index
          %get3A_172 = arith.constant 0 : index
          %get3A_173 = tpu.vector_load %arg9[%get3A, %get3A_172] {strides = array<i32>} : memref<80x64xf32, #tpu.memory_space<vmem>>, vector<16xf32>,
          %mul3A_174 = arith.mulf %get3A_173, %gather3A : vector<16xf32>
          %swap3A = arith.index_cast %scan3A_167 : i32 to index
          %swap3A_175 = arith.constant 0 : index
          %swap3A_176 = tpu.vector_load %arg11[%swap3A, %swap3A_175] {strides = array<i32>} : memref<80x128xf32, #tpu.memory_space<vmem>>, vector<16xf32>,
          tpu.vector_store %arg11[%swap3A, %swap3A_175], %mul3A_174 {strides = array<i32>} : memref<80x128xf32, #tpu.memory_space<vmem>>, vector<16xf32>,
          %mul3A_177 = arith.mulf %get3A_173, %gather3A_171 : vector<16xf32>
          %swap3A_178 = arith.index_cast %scan3A_167 : i32 to index
          %swap3A_179 = arith.constant 64 : index
          %swap3A_180 = tpu.vector_load %arg11[%swap3A_178, %swap3A_179] {strides = array<i32>} : memref<80x128xf32, #tpu.memory_space<vmem>>, vector<16xf32>,
          tpu.vector_store %arg11[%swap3A_178, %swap3A_179], %mul3A_177 {strides = array<i32>} : memref<80x128xf32, #tpu.memory_space<vmem>>, vector<16xf32>,
          %get3A_181 = arith.index_cast %scan3A_167 : i32 to index
          %get3A_182 = arith.constant 16 : index
          %get3A_183 = tpu.vector_load %arg9[%get3A_181, %get3A_182] {strides = array<i32>} : memref<80x64xf32, #tpu.memory_space<vmem>>, vector<16xf32>,
          %mul3A_184 = arith.mulf %get3A_183, %gather3A : vector<16xf32>
          %swap3A_185 = arith.index_cast %scan3A_167 : i32 to index
          %swap3A_186 = arith.constant 16 : index
          %swap3A_187 = tpu.vector_load %arg11[%swap3A_185, %swap3A_186] {strides = array<i32>} : memref<80x128xf32, #tpu.memory_space<vmem>>, vector<16xf32>,
          tpu.vector_store %arg11[%swap3A_185, %swap3A_186], %mul3A_184 {strides = array<i32>} : memref<80x128xf32, #tpu.memory_space<vmem>>, vector<16xf32>,
          %mul3A_188 = arith.mulf %get3A_183, %gather3A_171 : vector<16xf32>
          %swap3A_189 = arith.index_cast %scan3A_167 : i32 to index
          %swap3A_190 = arith.constant 80 : index
          %swap3A_191 = tpu.vector_load %arg11[%swap3A_189, %swap3A_190] {strides = array<i32>} : memref<80x128xf32, #tpu.memory_space<vmem>>, vector<16xf32>,
          tpu.vector_store %arg11[%swap3A_189, %swap3A_190], %mul3A_188 {strides = array<i32>} : memref<80x128xf32, #tpu.memory_space<vmem>>, vector<16xf32>,
          %get3A_192 = arith.index_cast %scan3A_167 : i32 to index
          %get3A_193 = arith.constant 32 : index
          %get3A_194 = tpu.vector_load %arg9[%get3A_192, %get3A_193] {strides = array<i32>} : memref<80x64xf32, #tpu.memory_space<vmem>>, vector<16xf32>,
          %mul3A_195 = arith.mulf %get3A_194, %gather3A : vector<16xf32>
          %swap3A_196 = arith.index_cast %scan3A_167 : i32 to index
          %swap3A_197 = arith.constant 32 : index
          %swap3A_198 = tpu.vector_load %arg11[%swap3A_196, %swap3A_197] {strides = array<i32>} : memref<80x128xf32, #tpu.memory_space<vmem>>, vector<16xf32>,
          tpu.vector_store %arg11[%swap3A_196, %swap3A_197], %mul3A_195 {strides = array<i32>} : memref<80x128xf32, #tpu.memory_space<vmem>>, vector<16xf32>,
          %mul3A_199 = arith.mulf %get3A_194, %gather3A_171 : vector<16xf32>
          %swap3A_200 = arith.index_cast %scan3A_167 : i32 to index
          %swap3A_201 = arith.constant 96 : index
          %swap3A_202 = tpu.vector_load %arg11[%swap3A_200, %swap3A_201] {strides = array<i32>} : memref<80x128xf32, #tpu.memory_space<vmem>>, vector<16xf32>,
          tpu.vector_store %arg11[%swap3A_200, %swap3A_201], %mul3A_199 {strides = array<i32>} : memref<80x128xf32, #tpu.memory_space<vmem>>, vector<16xf32>,
          %get3A_203 = arith.index_cast %scan3A_167 : i32 to index
          %get3A_204 = arith.constant 48 : index
          %get3A_205 = tpu.vector_load %arg9[%get3A_203, %get3A_204] {strides = array<i32>} : memref<80x64xf32, #tpu.memory_space<vmem>>, vector<16xf32>,
          %mul3A_206 = arith.mulf %get3A_205, %gather3A : vector<16xf32>
          %swap3A_207 = arith.index_cast %scan3A_167 : i32 to index
          %swap3A_208 = arith.constant 48 : index
          %swap3A_209 = tpu.vector_load %arg11[%swap3A_207, %swap3A_208] {strides = array<i32>} : memref<80x128xf32, #tpu.memory_space<vmem>>, vector<16xf32>,
          tpu.vector_store %arg11[%swap3A_207, %swap3A_208], %mul3A_206 {strides = array<i32>} : memref<80x128xf32, #tpu.memory_space<vmem>>, vector<16xf32>,
          %mul3A_210 = arith.mulf %get3A_205, %gather3A_171 : vector<16xf32>
          %swap3A_211 = arith.index_cast %scan3A_167 : i32 to index
          %swap3A_212 = arith.constant 112 : index
          %swap3A_213 = tpu.vector_load %arg11[%swap3A_211, %swap3A_212] {strides = array<i32>} : memref<80x128xf32, #tpu.memory_space<vmem>>, vector<16xf32>,
          tpu.vector_store %arg11[%swap3A_211, %swap3A_212], %mul3A_210 {strides = array<i32>} : memref<80x128xf32, #tpu.memory_space<vmem>>, vector<16xf32>,
        }
        %scan3A_122 = arith.constant 80 : i32
        %mul3A_123 = arith.constant 80 : i32
        %mul3A_124 = arith.muli %add3A_92, %mul3A_123 : i32
        %add3A_125 = arith.constant 4000 : i32
        %add3A_126 = arith.addi %add3A_125, %mul3A_124 : i32
        %dma_start3A_127 = tpu.memref_slice %arg7[%add3A_126] : memref<8000xi32, #tpu.memory_space<vmem>> -> memref<80xi32, #tpu.memory_space<vmem>>
        %dma_start3A_128 = arith.constant 0 : i32
        %dma_start3A_129 = arith.constant 0 : i32
        %dma_start3A_130 = tpu.memref_slice %arg13[%dma_start3A_128, %dma_start3A_129] : memref<10112x128xf32, #tpu.memory_space<vmem_shared>> -> memref<10112x128xf32, #tpu.memory_space<vmem_shared>>
        tpu.enqueue_indirect_dma source(%arg11 : memref<80x128xf32, #tpu.memory_space<vmem>>) target(%dma_start3A_130 : memref<10112x128xf32, #tpu.memory_space<vmem_shared>>) offsets(%dma_start3A_127 : memref<80xi32, #tpu.memory_space<vmem>>) semaphore(%arg16 : memref<!tpu.dma_semaphore, #tpu.memory_space<semaphore_mem>>) {add = true}
        %lt3A = arith.constant 48 : i32
        %lt3A_131 = arith.cmpi slt, %add3A_92, %lt3A : i32
        %convert_element_type3A = arith.extui %lt3A_131 : i1 to i32
        %cond3A = arith.constant 0 : i32
        %cond3A_132 = arith.cmpi ne, %convert_element_type3A, %cond3A : i32
        scf.if %cond3A_132 {
          %add3A_167 = arith.constant 2 : i32
          %add3A_168 = arith.addi %add3A_92, %add3A_167 : i32
          %mul3A_169 = arith.constant 80 : i32
          %mul3A_170 = arith.muli %add3A_168, %mul3A_169 : i32
          %dma_start3A_171 = tpu.memref_slice %arg7[%mul3A_170] : memref<8000xi32, #tpu.memory_space<vmem>> -> memref<80xi32, #tpu.memory_space<vmem>>
          %dma_start3A_172 = arith.constant 0 : i32
          %dma_start3A_173 = arith.constant 0 : i32
          %dma_start3A_174 = tpu.memref_slice %arg2[%dma_start3A_172, %dma_start3A_173] : memref<20000x64xf32, #tpu.memory_space<hbm>> -> memref<20000x64xf32, #tpu.memory_space<hbm>>
          tpu.enqueue_indirect_dma source(%dma_start3A_174 : memref<20000x64xf32, #tpu.memory_space<hbm>>) target(%arg9 : memref<80x64xf32, #tpu.memory_space<vmem>>) offsets(%dma_start3A_171 : memref<80xi32, #tpu.memory_space<vmem>>) semaphore(%arg14 : memref<!tpu.dma_semaphore, #tpu.memory_space<semaphore_mem>>)
        } else {
        }
        %dma_wait3A_133 = arith.constant 4000 : i32
        %dma_wait3A_134 = tpu.memref_slice %arg7[%dma_wait3A_133] : memref<8000xi32, #tpu.memory_space<vmem>> -> memref<80xi32, #tpu.memory_space<vmem>>
        %dma_wait3A_135 = arith.constant 0 : i32
        %dma_wait3A_136 = arith.constant 0 : i32
        %dma_wait3A_137 = tpu.memref_slice %arg13[%dma_wait3A_135, %dma_wait3A_136] : memref<10112x128xf32, #tpu.memory_space<vmem_shared>> -> memref<10112x128xf32, #tpu.memory_space<vmem_shared>>
        tpu.wait_indirect_dma semaphore(%arg17 : memref<!tpu.dma_semaphore, #tpu.memory_space<semaphore_mem>>) src(%arg12 : memref<80x128xf32, #tpu.memory_space<vmem>>) dst(%dma_wait3A_137 : memref<10112x128xf32, #tpu.memory_space<vmem_shared>>)
        %dma_wait3A_138 = arith.constant 0 : i32
        %dma_wait3A_139 = tpu.memref_slice %arg7[%dma_wait3A_138] : memref<8000xi32, #tpu.memory_space<vmem>> -> memref<80xi32, #tpu.memory_space<vmem>>
        %dma_wait3A_140 = arith.constant 0 : i32
        %dma_wait3A_141 = arith.constant 0 : i32
        %dma_wait3A_142 = tpu.memref_slice %arg2[%dma_wait3A_140, %dma_wait3A_141] : memref<20000x64xf32, #tpu.memory_space<hbm>> -> memref<20000x64xf32, #tpu.memory_space<hbm>>
        tpu.wait_indirect_dma semaphore(%arg15 : memref<!tpu.dma_semaphore, #tpu.memory_space<semaphore_mem>>) src(%dma_wait3A_142 : memref<20000x64xf32, #tpu.memory_space<hbm>>) dst(%arg10 : memref<80x64xf32, #tpu.memory_space<vmem>>)
        %add3A_143 = arith.constant 1 : i32
        %add3A_144 = arith.addi %add3A_92, %add3A_143 : i32
        %mul3A_145 = arith.constant 80 : i32
        %mul3A_146 = arith.muli %add3A_144, %mul3A_145 : i32
        %mul3A_147 = arith.constant 80 : i32
        %mul3A_148 = arith.muli %add3A_144, %mul3A_147 : i32
        %add3A_149 = arith.constant 4000 : i32
        %add3A_150 = arith.addi %add3A_149, %mul3A_148 : i32
        %scan3A_151 = arith.constant 0 : i32
        %scan3A_152 = arith.constant 0 : i32
        %scan3A_153 = arith.constant 80 : i32
        %scan3A_154 = arith.addi %scan3A_152, %scan3A_153 : i32
        %scan3A_155 = arith.constant 1 : i32
        scf.for %scan3A_167 = %scan3A_152 to %scan3A_154 step %scan3A_155  : i32 {
          %add3A_168 = arith.addi %mul3A_146, %scan3A_167 : i32
          %broadcast_in_dim3A = vector.broadcast %add3A_168 : i32 to vector<16xi32>
          %gather3A = tpu.vector_load_idx %arg8[%broadcast_in_dim3A] : memref<8000xf32, #tpu.memory_space<vmem>>[vector<16xi32>], vector<16xf32>,
          %add3A_169 = arith.addi %add3A_150, %scan3A_167 : i32
          %broadcast_in_dim3A_170 = vector.broadcast %add3A_169 : i32 to vector<16xi32>
          %gather3A_171 = tpu.vector_load_idx %arg8[%broadcast_in_dim3A_170] : memref<8000xf32, #tpu.memory_space<vmem>>[vector<16xi32>], vector<16xf32>,
          %get3A = arith.index_cast %scan3A_167 : i32 to index
          %get3A_172 = arith.constant 0 : index
          %get3A_173 = tpu.vector_load %arg10[%get3A, %get3A_172] {strides = array<i32>} : memref<80x64xf32, #tpu.memory_space<vmem>>, vector<16xf32>,
          %mul3A_174 = arith.mulf %get3A_173, %gather3A : vector<16xf32>
          %swap3A = arith.index_cast %scan3A_167 : i32 to index
          %swap3A_175 = arith.constant 0 : index
          %swap3A_176 = tpu.vector_load %arg12[%swap3A, %swap3A_175] {strides = array<i32>} : memref<80x128xf32, #tpu.memory_space<vmem>>, vector<16xf32>,
          tpu.vector_store %arg12[%swap3A, %swap3A_175], %mul3A_174 {strides = array<i32>} : memref<80x128xf32, #tpu.memory_space<vmem>>, vector<16xf32>,
          %mul3A_177 = arith.mulf %get3A_173, %gather3A_171 : vector<16xf32>
          %swap3A_178 = arith.index_cast %scan3A_167 : i32 to index
          %swap3A_179 = arith.constant 64 : index
          %swap3A_180 = tpu.vector_load %arg12[%swap3A_178, %swap3A_179] {strides = array<i32>} : memref<80x128xf32, #tpu.memory_space<vmem>>, vector<16xf32>,
          tpu.vector_store %arg12[%swap3A_178, %swap3A_179], %mul3A_177 {strides = array<i32>} : memref<80x128xf32, #tpu.memory_space<vmem>>, vector<16xf32>,
          %get3A_181 = arith.index_cast %scan3A_167 : i32 to index
          %get3A_182 = arith.constant 16 : index
          %get3A_183 = tpu.vector_load %arg10[%get3A_181, %get3A_182] {strides = array<i32>} : memref<80x64xf32, #tpu.memory_space<vmem>>, vector<16xf32>,
          %mul3A_184 = arith.mulf %get3A_183, %gather3A : vector<16xf32>
          %swap3A_185 = arith.index_cast %scan3A_167 : i32 to index
          %swap3A_186 = arith.constant 16 : index
          %swap3A_187 = tpu.vector_load %arg12[%swap3A_185, %swap3A_186] {strides = array<i32>} : memref<80x128xf32, #tpu.memory_space<vmem>>, vector<16xf32>,
          tpu.vector_store %arg12[%swap3A_185, %swap3A_186], %mul3A_184 {strides = array<i32>} : memref<80x128xf32, #tpu.memory_space<vmem>>, vector<16xf32>,
          %mul3A_188 = arith.mulf %get3A_183, %gather3A_171 : vector<16xf32>
          %swap3A_189 = arith.index_cast %scan3A_167 : i32 to index
          %swap3A_190 = arith.constant 80 : index
          %swap3A_191 = tpu.vector_load %arg12[%swap3A_189, %swap3A_190] {strides = array<i32>} : memref<80x128xf32, #tpu.memory_space<vmem>>, vector<16xf32>,
          tpu.vector_store %arg12[%swap3A_189, %swap3A_190], %mul3A_188 {strides = array<i32>} : memref<80x128xf32, #tpu.memory_space<vmem>>, vector<16xf32>,
          %get3A_192 = arith.index_cast %scan3A_167 : i32 to index
          %get3A_193 = arith.constant 32 : index
          %get3A_194 = tpu.vector_load %arg10[%get3A_192, %get3A_193] {strides = array<i32>} : memref<80x64xf32, #tpu.memory_space<vmem>>, vector<16xf32>,
          %mul3A_195 = arith.mulf %get3A_194, %gather3A : vector<16xf32>
          %swap3A_196 = arith.index_cast %scan3A_167 : i32 to index
          %swap3A_197 = arith.constant 32 : index
          %swap3A_198 = tpu.vector_load %arg12[%swap3A_196, %swap3A_197] {strides = array<i32>} : memref<80x128xf32, #tpu.memory_space<vmem>>, vector<16xf32>,
          tpu.vector_store %arg12[%swap3A_196, %swap3A_197], %mul3A_195 {strides = array<i32>} : memref<80x128xf32, #tpu.memory_space<vmem>>, vector<16xf32>,
          %mul3A_199 = arith.mulf %get3A_194, %gather3A_171 : vector<16xf32>
          %swap3A_200 = arith.index_cast %scan3A_167 : i32 to index
          %swap3A_201 = arith.constant 96 : index
          %swap3A_202 = tpu.vector_load %arg12[%swap3A_200, %swap3A_201] {strides = array<i32>} : memref<80x128xf32, #tpu.memory_space<vmem>>, vector<16xf32>,
          tpu.vector_store %arg12[%swap3A_200, %swap3A_201], %mul3A_199 {strides = array<i32>} : memref<80x128xf32, #tpu.memory_space<vmem>>, vector<16xf32>,
          %get3A_203 = arith.index_cast %scan3A_167 : i32 to index
          %get3A_204 = arith.constant 48 : index
          %get3A_205 = tpu.vector_load %arg10[%get3A_203, %get3A_204] {strides = array<i32>} : memref<80x64xf32, #tpu.memory_space<vmem>>, vector<16xf32>,
          %mul3A_206 = arith.mulf %get3A_205, %gather3A : vector<16xf32>
          %swap3A_207 = arith.index_cast %scan3A_167 : i32 to index
          %swap3A_208 = arith.constant 48 : index
          %swap3A_209 = tpu.vector_load %arg12[%swap3A_207, %swap3A_208] {strides = array<i32>} : memref<80x128xf32, #tpu.memory_space<vmem>>, vector<16xf32>,
          tpu.vector_store %arg12[%swap3A_207, %swap3A_208], %mul3A_206 {strides = array<i32>} : memref<80x128xf32, #tpu.memory_space<vmem>>, vector<16xf32>,
          %mul3A_210 = arith.mulf %get3A_205, %gather3A_171 : vector<16xf32>
          %swap3A_211 = arith.index_cast %scan3A_167 : i32 to index
          %swap3A_212 = arith.constant 112 : index
          %swap3A_213 = tpu.vector_load %arg12[%swap3A_211, %swap3A_212] {strides = array<i32>} : memref<80x128xf32, #tpu.memory_space<vmem>>, vector<16xf32>,
          tpu.vector_store %arg12[%swap3A_211, %swap3A_212], %mul3A_210 {strides = array<i32>} : memref<80x128xf32, #tpu.memory_space<vmem>>, vector<16xf32>,
        }
        %scan3A_156 = arith.constant 80 : i32
        %add3A_157 = arith.constant 1 : i32
        %add3A_158 = arith.addi %add3A_92, %add3A_157 : i32
        %mul3A_159 = arith.constant 80 : i32
        %mul3A_160 = arith.muli %add3A_158, %mul3A_159 : i32
        %add3A_161 = arith.constant 4000 : i32
        %add3A_162 = arith.addi %add3A_161, %mul3A_160 : i32
        %dma_start3A_163 = tpu.memref_slice %arg7[%add3A_162] : memref<8000xi32, #tpu.memory_space<vmem>> -> memref<80xi32, #tpu.memory_space<vmem>>
        %dma_start3A_164 = arith.constant 0 : i32
        %dma_start3A_165 = arith.constant 0 : i32
        %dma_start3A_166 = tpu.memref_slice %arg13[%dma_start3A_164, %dma_start3A_165] : memref<10112x128xf32, #tpu.memory_space<vmem_shared>> -> memref<10112x128xf32, #tpu.memory_space<vmem_shared>>
        tpu.enqueue_indirect_dma source(%arg12 : memref<80x128xf32, #tpu.memory_space<vmem>>) target(%dma_start3A_166 : memref<10112x128xf32, #tpu.memory_space<vmem_shared>>) offsets(%dma_start3A_163 : memref<80xi32, #tpu.memory_space<vmem>>) semaphore(%arg17 : memref<!tpu.dma_semaphore, #tpu.memory_space<semaphore_mem>>) {add = true}
      }
      %scan3A_77 = arith.constant 24 : i32
      %dma_wait3A_78 = arith.constant 4000 : i32
      %dma_wait3A_79 = tpu.memref_slice %arg7[%dma_wait3A_78] : memref<8000xi32, #tpu.memory_space<vmem>> -> memref<80xi32, #tpu.memory_space<vmem>>
      %dma_wait3A_80 = arith.constant 0 : i32
      %dma_wait3A_81 = arith.constant 0 : i32
      %dma_wait3A_82 = tpu.memref_slice %arg13[%dma_wait3A_80, %dma_wait3A_81] : memref<10112x128xf32, #tpu.memory_space<vmem_shared>> -> memref<10112x128xf32, #tpu.memory_space<vmem_shared>>
      tpu.wait_indirect_dma semaphore(%arg16 : memref<!tpu.dma_semaphore, #tpu.memory_space<semaphore_mem>>) src(%arg11 : memref<80x128xf32, #tpu.memory_space<vmem>>) dst(%dma_wait3A_82 : memref<10112x128xf32, #tpu.memory_space<vmem_shared>>)
      %dma_wait3A_83 = arith.constant 4000 : i32
      %dma_wait3A_84 = tpu.memref_slice %arg7[%dma_wait3A_83] : memref<8000xi32, #tpu.memory_space<vmem>> -> memref<80xi32, #tpu.memory_space<vmem>>
      %dma_wait3A_85 = arith.constant 0 : i32
      %dma_wait3A_86 = arith.constant 0 : i32
      %dma_wait3A_87 = tpu.memref_slice %arg13[%dma_wait3A_85, %dma_wait3A_86] : memref<10112x128xf32, #tpu.memory_space<vmem_shared>> -> memref<10112x128xf32, #tpu.memory_space<vmem_shared>>
      tpu.wait_indirect_dma semaphore(%arg17 : memref<!tpu.dma_semaphore, #tpu.memory_space<semaphore_mem>>) src(%arg12 : memref<80x128xf32, #tpu.memory_space<vmem>>) dst(%dma_wait3A_87 : memref<10112x128xf32, #tpu.memory_space<vmem_shared>>)
    }
    %scan3A_5 = arith.constant 5 : i32
    %barrier3A_6 = arith.constant 0 : index
    tpu.barrier barrier_id(%barrier3A_6)
    %mul3A_7 = arith.constant 632 : i32
    %mul3A_8 = arith.muli %arg1, %mul3A_7 : i32
    %mul3A_9 = arith.constant 10112 : i32
    %mul3A_10 = arith.muli %arg0, %mul3A_9 : i32
    %mul3A_11 = arith.constant 632 : i32
    %mul3A_12 = arith.muli %arg1, %mul3A_11 : i32
    %add3A = arith.addi %mul3A_10, %mul3A_12 : i32
    "tpu.region"() ({
      %run_scoped3A = tpu.sem_alloc : memref<!tpu.dma_semaphore, #tpu.memory_space<semaphore_mem>>
      %dma_start3A = arith.constant 0 : i32
      %dma_start3A_13 = tpu.memref_slice %arg6[%add3A, %dma_start3A] : memref<20224x128xf32, #tpu.memory_space<hbm>> -> memref<632x128xf32, #tpu.memory_space<hbm>>
      %dma_start3A_14 = arith.constant 0 : i32
      %dma_start3A_15 = tpu.memref_slice %arg13[%mul3A_8, %dma_start3A_14] : memref<10112x128xf32, #tpu.memory_space<vmem_shared>> -> memref<632x128xf32, #tpu.memory_space<vmem_shared>>
      tpu.enqueue_dma source(%dma_start3A_15 : memref<632x128xf32, #tpu.memory_space<vmem_shared>>) target(%dma_start3A_13 : memref<632x128xf32, #tpu.memory_space<hbm>>) target_semaphore(%run_scoped3A : memref<!tpu.dma_semaphore, #tpu.memory_space<semaphore_mem>>)
      %dma_wait3A = arith.constant 0 : i32
      %dma_wait3A_16 = tpu.memref_slice %arg6[%add3A, %dma_wait3A] : memref<20224x128xf32, #tpu.memory_space<hbm>> -> memref<632x128xf32, #tpu.memory_space<hbm>>
      %dma_wait3A_17 = arith.constant 0 : i32
      %dma_wait3A_18 = tpu.memref_slice %arg13[%mul3A_8, %dma_wait3A_17] : memref<10112x128xf32, #tpu.memory_space<vmem_shared>> -> memref<632x128xf32, #tpu.memory_space<vmem_shared>>
      tpu.wait_dma2 semaphore(%run_scoped3A : memref<!tpu.dma_semaphore, #tpu.memory_space<semaphore_mem>>) src(%dma_wait3A_18 : memref<632x128xf32, #tpu.memory_space<vmem_shared>>) dst(%dma_wait3A_16 : memref<632x128xf32, #tpu.memory_space<hbm>>)
      tpu.yield
    }) : () -> ()
    return
  }
}

#map = affine_map<(d0, d1) -> (0, 0)>
#map1 = affine_map<(d0, d1) -> (0)>
module attributes {stable_mosaic.version = 14 : i64} {
  func.func @sck(%arg0: i32, %arg1: i32, %arg2: memref<20000x64xf32, #tpu.memory_space<hbm>>, %arg3: memref<1280000xi32, #tpu.memory_space<hbm>>, %arg4: memref<640000xf32, #tpu.memory_space<hbm>>, %arg5: memref<632x128xf32, #tpu.memory_space<hbm>>, %arg6: memref<20224x128xf32, #tpu.memory_space<hbm>>, %arg7: memref<8000xi32, #tpu.memory_space<vmem>>, %arg8: memref<8000xf32, #tpu.memory_space<vmem>>, %arg9: memref<80x64xf32, #tpu.memory_space<vmem>>, %arg10: memref<80x64xf32, #tpu.memory_space<vmem>>, %arg11: memref<80x128xf32, #tpu.memory_space<vmem>>, %arg12: memref<80x128xf32, #tpu.memory_space<vmem>>, %arg13: memref<10112x128xf32, #tpu.memory_space<vmem_shared>>, %arg14: memref<!tpu.dma_semaphore, #tpu.memory_space<semaphore_mem>>, %arg15: memref<!tpu.dma_semaphore, #tpu.memory_space<semaphore_mem>>, %arg16: memref<!tpu.dma_semaphore, #tpu.memory_space<semaphore_mem>>, %arg17: memref<!tpu.dma_semaphore, #tpu.memory_space<semaphore_mem>>) attributes {dimension_semantics = [#tpu.dimension_semantics<core_parallel>, #tpu.dimension_semantics<subcore_parallel>], iteration_bounds = array<i64: 2, 16>, scalar_prefetch = 0 : i64, scratch_operands = 11 : i64, tpu.core_type = #tpu.core_type<sc_vector_subcore>, window_params = [{transform_indices = #map}, {transform_indices = #map1}, {transform_indices = #map1}, {transform_indices = #map}, {transform_indices = #map}]} {
    %mul3A = arith.constant 632 : i32
    %mul3A_0 = arith.muli %arg1, %mul3A : i32
    "tpu.region"() ({
      %run_scoped3A = tpu.sem_alloc : memref<!tpu.dma_semaphore, #tpu.memory_space<semaphore_mem>>
      %dma_start3A = arith.constant 0 : i32
      %dma_start3A_13 = tpu.memref_slice %arg13[%mul3A_0, %dma_start3A] : memref<10112x128xf32, #tpu.memory_space<vmem_shared>> -> memref<632x128xf32, #tpu.memory_space<vmem_shared>>
      tpu.enqueue_dma source(%arg5 : memref<632x128xf32, #tpu.memory_space<hbm>>) target(%dma_start3A_13 : memref<632x128xf32, #tpu.memory_space<vmem_shared>>) target_semaphore(%run_scoped3A : memref<!tpu.dma_semaphore, #tpu.memory_space<semaphore_mem>>)
      %dma_wait3A = arith.constant 0 : i32
      %dma_wait3A_14 = tpu.memref_slice %arg13[%mul3A_0, %dma_wait3A] : memref<10112x128xf32, #tpu.memory_space<vmem_shared>> -> memref<632x128xf32, #tpu.memory_space<vmem_shared>>
      tpu.wait_dma2 semaphore(%run_scoped3A : memref<!tpu.dma_semaphore, #tpu.memory_space<semaphore_mem>>) src(%arg5 : memref<632x128xf32, #tpu.memory_space<hbm>>) dst(%dma_wait3A_14 : memref<632x128xf32, #tpu.memory_space<vmem_shared>>)
      tpu.yield
    }) : () -> ()
    %barrier3A = arith.constant 0 : index
    tpu.barrier barrier_id(%barrier3A)
    %scan3A = arith.constant 0 : i32
    %scan3A_1 = arith.constant 0 : i32
    %scan3A_2 = arith.constant 5 : i32
    %scan3A_3 = arith.addi %scan3A_1, %scan3A_2 : i32
    %scan3A_4 = arith.constant 1 : i32
    scf.for %scan3A_13 = %scan3A_1 to %scan3A_3 step %scan3A_4  : i32 {
      %mul3A_14 = arith.constant 16 : i32
      %mul3A_15 = arith.muli %arg0, %mul3A_14 : i32
      %add3A_16 = arith.addi %mul3A_15, %arg1 : i32
      %mul3A_17 = arith.constant 5 : i32
      %mul3A_18 = arith.muli %add3A_16, %mul3A_17 : i32
      %add3A_19 = arith.addi %mul3A_18, %scan3A_13 : i32
      %mul3A_20 = arith.constant 8000 : i32
      %mul3A_21 = arith.muli %add3A_19, %mul3A_20 : i32
      %mul3A_22 = arith.constant 5 : i32
      %mul3A_23 = arith.muli %arg1, %mul3A_22 : i32
      %add3A_24 = arith.addi %mul3A_23, %scan3A_13 : i32
      %mul3A_25 = arith.constant 8000 : i32
      %mul3A_26 = arith.muli %add3A_24, %mul3A_25 : i32
      "tpu.region"() ({
        %run_scoped3A = tpu.sem_alloc : memref<!tpu.dma_semaphore, #tpu.memory_space<semaphore_mem>>
        %dma_start3A_88 = tpu.memref_slice %arg3[%mul3A_21] : memref<1280000xi32, #tpu.memory_space<hbm>> -> memref<8000xi32, #tpu.memory_space<hbm>>
        %dma_start3A_89 = tpu.memref_slice %arg3[%mul3A_21] : memref<1280000xi32, #tpu.memory_space<hbm>> -> memref<8000xi32, #tpu.memory_space<hbm>>
        tpu.enqueue_dma source(%dma_start3A_89 : memref<8000xi32, #tpu.memory_space<hbm>>) target(%arg7 : memref<8000xi32, #tpu.memory_space<vmem>>) target_semaphore(%run_scoped3A : memref<!tpu.dma_semaphore, #tpu.memory_space<semaphore_mem>>)
        %dma_wait3A_90 = tpu.memref_slice %arg3[%mul3A_21] : memref<1280000xi32, #tpu.memory_space<hbm>> -> memref<8000xi32, #tpu.memory_space<hbm>>
        %dma_wait3A_91 = tpu.memref_slice %arg3[%mul3A_21] : memref<1280000xi32, #tpu.memory_space<hbm>> -> memref<8000xi32, #tpu.memory_space<hbm>>
        tpu.wait_dma2 semaphore(%run_scoped3A : memref<!tpu.dma_semaphore, #tpu.memory_space<semaphore_mem>>) src(%dma_wait3A_91 : memref<8000xi32, #tpu.memory_space<hbm>>) dst(%arg7 : memref<8000xi32, #tpu.memory_space<vmem>>)
        tpu.yield
      }) : () -> ()
      "tpu.region"() ({
        %run_scoped3A = tpu.sem_alloc : memref<!tpu.dma_semaphore, #tpu.memory_space<semaphore_mem>>
        %dma_start3A_88 = tpu.memref_slice %arg4[%mul3A_26] : memref<640000xf32, #tpu.memory_space<hbm>> -> memref<8000xf32, #tpu.memory_space<hbm>>
        %dma_start3A_89 = tpu.memref_slice %arg4[%mul3A_26] : memref<640000xf32, #tpu.memory_space<hbm>> -> memref<8000xf32, #tpu.memory_space<hbm>>
        tpu.enqueue_dma source(%dma_start3A_89 : memref<8000xf32, #tpu.memory_space<hbm>>) target(%arg8 : memref<8000xf32, #tpu.memory_space<vmem>>) target_semaphore(%run_scoped3A : memref<!tpu.dma_semaphore, #tpu.memory_space<semaphore_mem>>)
        %dma_wait3A_90 = tpu.memref_slice %arg4[%mul3A_26] : memref<640000xf32, #tpu.memory_space<hbm>> -> memref<8000xf32, #tpu.memory_space<hbm>>
        %dma_wait3A_91 = tpu.memref_slice %arg4[%mul3A_26] : memref<640000xf32, #tpu.memory_space<hbm>> -> memref<8000xf32, #tpu.memory_space<hbm>>
        tpu.wait_dma2 semaphore(%run_scoped3A : memref<!tpu.dma_semaphore, #tpu.memory_space<semaphore_mem>>) src(%dma_wait3A_91 : memref<8000xf32, #tpu.memory_space<hbm>>) dst(%arg8 : memref<8000xf32, #tpu.memory_space<vmem>>)
        tpu.yield
      }) : () -> ()
      %dma_start3A = arith.constant 0 : i32
      %dma_start3A_27 = tpu.memref_slice %arg7[%dma_start3A] : memref<8000xi32, #tpu.memory_space<vmem>> -> memref<80xi32, #tpu.memory_space<vmem>>
      %dma_start3A_28 = arith.constant 0 : i32
      %dma_start3A_29 = arith.constant 0 : i32
      %dma_start3A_30 = tpu.memref_slice %arg2[%dma_start3A_28, %dma_start3A_29] : memref<20000x64xf32, #tpu.memory_space<hbm>> -> memref<20000x64xf32, #tpu.memory_space<hbm>>
      tpu.enqueue_indirect_dma source(%dma_start3A_30 : memref<20000x64xf32, #tpu.memory_space<hbm>>) target(%arg9 : memref<80x64xf32, #tpu.memory_space<vmem>>) offsets(%dma_start3A_27 : memref<80xi32, #tpu.memory_space<vmem>>) semaphore(%arg14 : memref<!tpu.dma_semaphore, #tpu.memory_space<semaphore_mem>>)
      %dma_start3A_31 = arith.constant 80 : i32
      %dma_start3A_32 = tpu.memref_slice %arg7[%dma_start3A_31] : memref<8000xi32, #tpu.memory_space<vmem>> -> memref<80xi32, #tpu.memory_space<vmem>>
      %dma_start3A_33 = arith.constant 0 : i32
      %dma_start3A_34 = arith.constant 0 : i32
      %dma_start3A_35 = tpu.memref_slice %arg2[%dma_start3A_33, %dma_start3A_34] : memref<20000x64xf32, #tpu.memory_space<hbm>> -> memref<20000x64xf32, #tpu.memory_space<hbm>>
      tpu.enqueue_indirect_dma source(%dma_start3A_35 : memref<20000x64xf32, #tpu.memory_space<hbm>>) target(%arg10 : memref<80x64xf32, #tpu.memory_space<vmem>>) offsets(%dma_start3A_32 : memref<80xi32, #tpu.memory_space<vmem>>) semaphore(%arg15 : memref<!tpu.dma_semaphore, #tpu.memory_space<semaphore_mem>>)
      %dma_wait3A = arith.constant 0 : i32
      %dma_wait3A_36 = tpu.memref_slice %arg7[%dma_wait3A] : memref<8000xi32, #tpu.memory_space<vmem>> -> memref<80xi32, #tpu.memory_space<vmem>>
      %dma_wait3A_37 = arith.constant 0 : i32
      %dma_wait3A_38 = arith.constant 0 : i32
      %dma_wait3A_39 = tpu.memref_slice %arg2[%dma_wait3A_37, %dma_wait3A_38] : memref<20000x64xf32, #tpu.memory_space<hbm>> -> memref<20000x64xf32, #tpu.memory_space<hbm>>
      tpu.wait_indirect_dma semaphore(%arg14 : memref<!tpu.dma_semaphore, #tpu.memory_space<semaphore_mem>>) src(%dma_wait3A_39 : memref<20000x64xf32, #tpu.memory_space<hbm>>) dst(%arg9 : memref<80x64xf32, #tpu.memory_space<vmem>>)
      %scan3A_40 = arith.constant 0 : i32
      %scan3A_41 = arith.constant 0 : i32
      %scan3A_42 = arith.constant 80 : i32
      %scan3A_43 = arith.addi %scan3A_41, %scan3A_42 : i32
      %scan3A_44 = arith.constant 1 : i32
      scf.for %scan3A_88 = %scan3A_41 to %scan3A_43 step %scan3A_44  : i32 {
        %add3A_89 = arith.constant 0 : i32
        %add3A_90 = arith.addi %add3A_89, %scan3A_88 : i32
        %broadcast_in_dim3A = vector.broadcast %add3A_90 : i32 to vector<16xi32>
        %gather3A = tpu.vector_load_idx %arg8[%broadcast_in_dim3A] : memref<8000xf32, #tpu.memory_space<vmem>>[vector<16xi32>], vector<16xf32>,
        %add3A_91 = arith.constant 4000 : i32
        %add3A_92 = arith.addi %add3A_91, %scan3A_88 : i32
        %broadcast_in_dim3A_93 = vector.broadcast %add3A_92 : i32 to vector<16xi32>
        %gather3A_94 = tpu.vector_load_idx %arg8[%broadcast_in_dim3A_93] : memref<8000xf32, #tpu.memory_space<vmem>>[vector<16xi32>], vector<16xf32>,
        %get3A = arith.index_cast %scan3A_88 : i32 to index
        %get3A_95 = arith.constant 0 : index
        %get3A_96 = tpu.vector_load %arg9[%get3A, %get3A_95] {strides = array<i32>} : memref<80x64xf32, #tpu.memory_space<vmem>>, vector<16xf32>,
        %mul3A_97 = arith.mulf %get3A_96, %gather3A : vector<16xf32>
        %swap3A = arith.index_cast %scan3A_88 : i32 to index
        %swap3A_98 = arith.constant 0 : index
        %swap3A_99 = tpu.vector_load %arg11[%swap3A, %swap3A_98] {strides = array<i32>} : memref<80x128xf32, #tpu.memory_space<vmem>>, vector<16xf32>,
        tpu.vector_store %arg11[%swap3A, %swap3A_98], %mul3A_97 {strides = array<i32>} : memref<80x128xf32, #tpu.memory_space<vmem>>, vector<16xf32>,
        %mul3A_100 = arith.mulf %get3A_96, %gather3A_94 : vector<16xf32>
        %swap3A_101 = arith.index_cast %scan3A_88 : i32 to index
        %swap3A_102 = arith.constant 64 : index
        %swap3A_103 = tpu.vector_load %arg11[%swap3A_101, %swap3A_102] {strides = array<i32>} : memref<80x128xf32, #tpu.memory_space<vmem>>, vector<16xf32>,
        tpu.vector_store %arg11[%swap3A_101, %swap3A_102], %mul3A_100 {strides = array<i32>} : memref<80x128xf32, #tpu.memory_space<vmem>>, vector<16xf32>,
        %get3A_104 = arith.index_cast %scan3A_88 : i32 to index
        %get3A_105 = arith.constant 16 : index
        %get3A_106 = tpu.vector_load %arg9[%get3A_104, %get3A_105] {strides = array<i32>} : memref<80x64xf32, #tpu.memory_space<vmem>>, vector<16xf32>,
        %mul3A_107 = arith.mulf %get3A_106, %gather3A : vector<16xf32>
        %swap3A_108 = arith.index_cast %scan3A_88 : i32 to index
        %swap3A_109 = arith.constant 16 : index
        %swap3A_110 = tpu.vector_load %arg11[%swap3A_108, %swap3A_109] {strides = array<i32>} : memref<80x128xf32, #tpu.memory_space<vmem>>, vector<16xf32>,
        tpu.vector_store %arg11[%swap3A_108, %swap3A_109], %mul3A_107 {strides = array<i32>} : memref<80x128xf32, #tpu.memory_space<vmem>>, vector<16xf32>,
        %mul3A_111 = arith.mulf %get3A_106, %gather3A_94 : vector<16xf32>
        %swap3A_112 = arith.index_cast %scan3A_88 : i32 to index
        %swap3A_113 = arith.constant 80 : index
        %swap3A_114 = tpu.vector_load %arg11[%swap3A_112, %swap3A_113] {strides = array<i32>} : memref<80x128xf32, #tpu.memory_space<vmem>>, vector<16xf32>,
        tpu.vector_store %arg11[%swap3A_112, %swap3A_113], %mul3A_111 {strides = array<i32>} : memref<80x128xf32, #tpu.memory_space<vmem>>, vector<16xf32>,
        %get3A_115 = arith.index_cast %scan3A_88 : i32 to index
        %get3A_116 = arith.constant 32 : index
        %get3A_117 = tpu.vector_load %arg9[%get3A_115, %get3A_116] {strides = array<i32>} : memref<80x64xf32, #tpu.memory_space<vmem>>, vector<16xf32>,
        %mul3A_118 = arith.mulf %get3A_117, %gather3A : vector<16xf32>
        %swap3A_119 = arith.index_cast %scan3A_88 : i32 to index
        %swap3A_120 = arith.constant 32 : index
        %swap3A_121 = tpu.vector_load %arg11[%swap3A_119, %swap3A_120] {strides = array<i32>} : memref<80x128xf32, #tpu.memory_space<vmem>>, vector<16xf32>,
        tpu.vector_store %arg11[%swap3A_119, %swap3A_120], %mul3A_118 {strides = array<i32>} : memref<80x128xf32, #tpu.memory_space<vmem>>, vector<16xf32>,
        %mul3A_122 = arith.mulf %get3A_117, %gather3A_94 : vector<16xf32>
        %swap3A_123 = arith.index_cast %scan3A_88 : i32 to index
        %swap3A_124 = arith.constant 96 : index
        %swap3A_125 = tpu.vector_load %arg11[%swap3A_123, %swap3A_124] {strides = array<i32>} : memref<80x128xf32, #tpu.memory_space<vmem>>, vector<16xf32>,
        tpu.vector_store %arg11[%swap3A_123, %swap3A_124], %mul3A_122 {strides = array<i32>} : memref<80x128xf32, #tpu.memory_space<vmem>>, vector<16xf32>,
        %get3A_126 = arith.index_cast %scan3A_88 : i32 to index
        %get3A_127 = arith.constant 48 : index
        %get3A_128 = tpu.vector_load %arg9[%get3A_126, %get3A_127] {strides = array<i32>} : memref<80x64xf32, #tpu.memory_space<vmem>>, vector<16xf32>,
        %mul3A_129 = arith.mulf %get3A_128, %gather3A : vector<16xf32>
        %swap3A_130 = arith.index_cast %scan3A_88 : i32 to index
        %swap3A_131 = arith.constant 48 : index
        %swap3A_132 = tpu.vector_load %arg11[%swap3A_130, %swap3A_131] {strides = array<i32>} : memref<80x128xf32, #tpu.memory_space<vmem>>, vector<16xf32>,
        tpu.vector_store %arg11[%swap3A_130, %swap3A_131], %mul3A_129 {strides = array<i32>} : memref<80x128xf32, #tpu.memory_space<vmem>>, vector<16xf32>,
        %mul3A_133 = arith.mulf %get3A_128, %gather3A_94 : vector<16xf32>
        %swap3A_134 = arith.index_cast %scan3A_88 : i32 to index
        %swap3A_135 = arith.constant 112 : index
        %swap3A_136 = tpu.vector_load %arg11[%swap3A_134, %swap3A_135] {strides = array<i32>} : memref<80x128xf32, #tpu.memory_space<vmem>>, vector<16xf32>,
        tpu.vector_store %arg11[%swap3A_134, %swap3A_135], %mul3A_133 {strides = array<i32>} : memref<80x128xf32, #tpu.memory_space<vmem>>, vector<16xf32>,
      }
      %scan3A_45 = arith.constant 80 : i32
      %dma_start3A_46 = arith.constant 4000 : i32
      %dma_start3A_47 = tpu.memref_slice %arg7[%dma_start3A_46] : memref<8000xi32, #tpu.memory_space<vmem>> -> memref<80xi32, #tpu.memory_space<vmem>>
      %dma_start3A_48 = arith.constant 0 : i32
      %dma_start3A_49 = arith.constant 0 : i32
      %dma_start3A_50 = tpu.memref_slice %arg13[%dma_start3A_48, %dma_start3A_49] : memref<10112x128xf32, #tpu.memory_space<vmem_shared>> -> memref<10112x128xf32, #tpu.memory_space<vmem_shared>>
      tpu.enqueue_indirect_dma source(%arg11 : memref<80x128xf32, #tpu.memory_space<vmem>>) target(%dma_start3A_50 : memref<10112x128xf32, #tpu.memory_space<vmem_shared>>) offsets(%dma_start3A_47 : memref<80xi32, #tpu.memory_space<vmem>>) semaphore(%arg16 : memref<!tpu.dma_semaphore, #tpu.memory_space<semaphore_mem>>) {add = true}
      %dma_start3A_51 = arith.constant 160 : i32
      %dma_start3A_52 = tpu.memref_slice %arg7[%dma_start3A_51] : memref<8000xi32, #tpu.memory_space<vmem>> -> memref<80xi32, #tpu.memory_space<vmem>>
      %dma_start3A_53 = arith.constant 0 : i32
      %dma_start3A_54 = arith.constant 0 : i32
      %dma_start3A_55 = tpu.memref_slice %arg2[%dma_start3A_53, %dma_start3A_54] : memref<20000x64xf32, #tpu.memory_space<hbm>> -> memref<20000x64xf32, #tpu.memory_space<hbm>>
      tpu.enqueue_indirect_dma source(%dma_start3A_55 : memref<20000x64xf32, #tpu.memory_space<hbm>>) target(%arg9 : memref<80x64xf32, #tpu.memory_space<vmem>>) offsets(%dma_start3A_52 : memref<80xi32, #tpu.memory_space<vmem>>) semaphore(%arg14 : memref<!tpu.dma_semaphore, #tpu.memory_space<semaphore_mem>>)
      %dma_wait3A_56 = arith.constant 0 : i32
      %dma_wait3A_57 = tpu.memref_slice %arg7[%dma_wait3A_56] : memref<8000xi32, #tpu.memory_space<vmem>> -> memref<80xi32, #tpu.memory_space<vmem>>
      %dma_wait3A_58 = arith.constant 0 : i32
      %dma_wait3A_59 = arith.constant 0 : i32
      %dma_wait3A_60 = tpu.memref_slice %arg2[%dma_wait3A_58, %dma_wait3A_59] : memref<20000x64xf32, #tpu.memory_space<hbm>> -> memref<20000x64xf32, #tpu.memory_space<hbm>>
      tpu.wait_indirect_dma semaphore(%arg15 : memref<!tpu.dma_semaphore, #tpu.memory_space<semaphore_mem>>) src(%dma_wait3A_60 : memref<20000x64xf32, #tpu.memory_space<hbm>>) dst(%arg10 : memref<80x64xf32, #tpu.memory_space<vmem>>)
      %scan3A_61 = arith.constant 0 : i32
      %scan3A_62 = arith.constant 0 : i32
      %scan3A_63 = arith.constant 80 : i32
      %scan3A_64 = arith.addi %scan3A_62, %scan3A_63 : i32
      %scan3A_65 = arith.constant 1 : i32
      scf.for %scan3A_88 = %scan3A_62 to %scan3A_64 step %scan3A_65  : i32 {
        %add3A_89 = arith.constant 80 : i32
        %add3A_90 = arith.addi %add3A_89, %scan3A_88 : i32
        %broadcast_in_dim3A = vector.broadcast %add3A_90 : i32 to vector<16xi32>
        %gather3A = tpu.vector_load_idx %arg8[%broadcast_in_dim3A] : memref<8000xf32, #tpu.memory_space<vmem>>[vector<16xi32>], vector<16xf32>,
        %add3A_91 = arith.constant 4080 : i32
        %add3A_92 = arith.addi %add3A_91, %scan3A_88 : i32
        %broadcast_in_dim3A_93 = vector.broadcast %add3A_92 : i32 to vector<16xi32>
        %gather3A_94 = tpu.vector_load_idx %arg8[%broadcast_in_dim3A_93] : memref<8000xf32, #tpu.memory_space<vmem>>[vector<16xi32>], vector<16xf32>,
        %get3A = arith.index_cast %scan3A_88 : i32 to index
        %get3A_95 = arith.constant 0 : index
        %get3A_96 = tpu.vector_load %arg10[%get3A, %get3A_95] {strides = array<i32>} : memref<80x64xf32, #tpu.memory_space<vmem>>, vector<16xf32>,
        %mul3A_97 = arith.mulf %get3A_96, %gather3A : vector<16xf32>
        %swap3A = arith.index_cast %scan3A_88 : i32 to index
        %swap3A_98 = arith.constant 0 : index
        %swap3A_99 = tpu.vector_load %arg12[%swap3A, %swap3A_98] {strides = array<i32>} : memref<80x128xf32, #tpu.memory_space<vmem>>, vector<16xf32>,
        tpu.vector_store %arg12[%swap3A, %swap3A_98], %mul3A_97 {strides = array<i32>} : memref<80x128xf32, #tpu.memory_space<vmem>>, vector<16xf32>,
        %mul3A_100 = arith.mulf %get3A_96, %gather3A_94 : vector<16xf32>
        %swap3A_101 = arith.index_cast %scan3A_88 : i32 to index
        %swap3A_102 = arith.constant 64 : index
        %swap3A_103 = tpu.vector_load %arg12[%swap3A_101, %swap3A_102] {strides = array<i32>} : memref<80x128xf32, #tpu.memory_space<vmem>>, vector<16xf32>,
        tpu.vector_store %arg12[%swap3A_101, %swap3A_102], %mul3A_100 {strides = array<i32>} : memref<80x128xf32, #tpu.memory_space<vmem>>, vector<16xf32>,
        %get3A_104 = arith.index_cast %scan3A_88 : i32 to index
        %get3A_105 = arith.constant 16 : index
        %get3A_106 = tpu.vector_load %arg10[%get3A_104, %get3A_105] {strides = array<i32>} : memref<80x64xf32, #tpu.memory_space<vmem>>, vector<16xf32>,
        %mul3A_107 = arith.mulf %get3A_106, %gather3A : vector<16xf32>
        %swap3A_108 = arith.index_cast %scan3A_88 : i32 to index
        %swap3A_109 = arith.constant 16 : index
        %swap3A_110 = tpu.vector_load %arg12[%swap3A_108, %swap3A_109] {strides = array<i32>} : memref<80x128xf32, #tpu.memory_space<vmem>>, vector<16xf32>,
        tpu.vector_store %arg12[%swap3A_108, %swap3A_109], %mul3A_107 {strides = array<i32>} : memref<80x128xf32, #tpu.memory_space<vmem>>, vector<16xf32>,
        %mul3A_111 = arith.mulf %get3A_106, %gather3A_94 : vector<16xf32>
        %swap3A_112 = arith.index_cast %scan3A_88 : i32 to index
        %swap3A_113 = arith.constant 80 : index
        %swap3A_114 = tpu.vector_load %arg12[%swap3A_112, %swap3A_113] {strides = array<i32>} : memref<80x128xf32, #tpu.memory_space<vmem>>, vector<16xf32>,
        tpu.vector_store %arg12[%swap3A_112, %swap3A_113], %mul3A_111 {strides = array<i32>} : memref<80x128xf32, #tpu.memory_space<vmem>>, vector<16xf32>,
        %get3A_115 = arith.index_cast %scan3A_88 : i32 to index
        %get3A_116 = arith.constant 32 : index
        %get3A_117 = tpu.vector_load %arg10[%get3A_115, %get3A_116] {strides = array<i32>} : memref<80x64xf32, #tpu.memory_space<vmem>>, vector<16xf32>,
        %mul3A_118 = arith.mulf %get3A_117, %gather3A : vector<16xf32>
        %swap3A_119 = arith.index_cast %scan3A_88 : i32 to index
        %swap3A_120 = arith.constant 32 : index
        %swap3A_121 = tpu.vector_load %arg12[%swap3A_119, %swap3A_120] {strides = array<i32>} : memref<80x128xf32, #tpu.memory_space<vmem>>, vector<16xf32>,
        tpu.vector_store %arg12[%swap3A_119, %swap3A_120], %mul3A_118 {strides = array<i32>} : memref<80x128xf32, #tpu.memory_space<vmem>>, vector<16xf32>,
        %mul3A_122 = arith.mulf %get3A_117, %gather3A_94 : vector<16xf32>
        %swap3A_123 = arith.index_cast %scan3A_88 : i32 to index
        %swap3A_124 = arith.constant 96 : index
        %swap3A_125 = tpu.vector_load %arg12[%swap3A_123, %swap3A_124] {strides = array<i32>} : memref<80x128xf32, #tpu.memory_space<vmem>>, vector<16xf32>,
        tpu.vector_store %arg12[%swap3A_123, %swap3A_124], %mul3A_122 {strides = array<i32>} : memref<80x128xf32, #tpu.memory_space<vmem>>, vector<16xf32>,
        %get3A_126 = arith.index_cast %scan3A_88 : i32 to index
        %get3A_127 = arith.constant 48 : index
        %get3A_128 = tpu.vector_load %arg10[%get3A_126, %get3A_127] {strides = array<i32>} : memref<80x64xf32, #tpu.memory_space<vmem>>, vector<16xf32>,
        %mul3A_129 = arith.mulf %get3A_128, %gather3A : vector<16xf32>
        %swap3A_130 = arith.index_cast %scan3A_88 : i32 to index
        %swap3A_131 = arith.constant 48 : index
        %swap3A_132 = tpu.vector_load %arg12[%swap3A_130, %swap3A_131] {strides = array<i32>} : memref<80x128xf32, #tpu.memory_space<vmem>>, vector<16xf32>,
        tpu.vector_store %arg12[%swap3A_130, %swap3A_131], %mul3A_129 {strides = array<i32>} : memref<80x128xf32, #tpu.memory_space<vmem>>, vector<16xf32>,
        %mul3A_133 = arith.mulf %get3A_128, %gather3A_94 : vector<16xf32>
        %swap3A_134 = arith.index_cast %scan3A_88 : i32 to index
        %swap3A_135 = arith.constant 112 : index
        %swap3A_136 = tpu.vector_load %arg12[%swap3A_134, %swap3A_135] {strides = array<i32>} : memref<80x128xf32, #tpu.memory_space<vmem>>, vector<16xf32>,
        tpu.vector_store %arg12[%swap3A_134, %swap3A_135], %mul3A_133 {strides = array<i32>} : memref<80x128xf32, #tpu.memory_space<vmem>>, vector<16xf32>,
      }
      %scan3A_66 = arith.constant 80 : i32
      %dma_start3A_67 = arith.constant 4080 : i32
      %dma_start3A_68 = tpu.memref_slice %arg7[%dma_start3A_67] : memref<8000xi32, #tpu.memory_space<vmem>> -> memref<80xi32, #tpu.memory_space<vmem>>
      %dma_start3A_69 = arith.constant 0 : i32
      %dma_start3A_70 = arith.constant 0 : i32
      %dma_start3A_71 = tpu.memref_slice %arg13[%dma_start3A_69, %dma_start3A_70] : memref<10112x128xf32, #tpu.memory_space<vmem_shared>> -> memref<10112x128xf32, #tpu.memory_space<vmem_shared>>
      tpu.enqueue_indirect_dma source(%arg12 : memref<80x128xf32, #tpu.memory_space<vmem>>) target(%dma_start3A_71 : memref<10112x128xf32, #tpu.memory_space<vmem_shared>>) offsets(%dma_start3A_68 : memref<80xi32, #tpu.memory_space<vmem>>) semaphore(%arg17 : memref<!tpu.dma_semaphore, #tpu.memory_space<semaphore_mem>>) {add = true}
      %scan3A_72 = arith.constant 0 : i32
      %scan3A_73 = arith.constant 0 : i32
      %scan3A_74 = arith.constant 24 : i32
      %scan3A_75 = arith.addi %scan3A_73, %scan3A_74 : i32
      %scan3A_76 = arith.constant 1 : i32
      scf.for %scan3A_88 = %scan3A_73 to %scan3A_75 step %scan3A_76  : i32 {
        %mul3A_89 = arith.constant 2 : i32
        %mul3A_90 = arith.muli %mul3A_89, %scan3A_88 : i32
        %add3A_91 = arith.constant 2 : i32
        %add3A_92 = arith.addi %add3A_91, %mul3A_90 : i32
        %add3A_93 = arith.constant 1 : i32
        %add3A_94 = arith.addi %add3A_92, %add3A_93 : i32
        %mul3A_95 = arith.constant 80 : i32
        %mul3A_96 = arith.muli %add3A_94, %mul3A_95 : i32
        %dma_start3A_97 = tpu.memref_slice %arg7[%mul3A_96] : memref<8000xi32, #tpu.memory_space<vmem>> -> memref<80xi32, #tpu.memory_space<vmem>>
        %dma_start3A_98 = arith.constant 0 : i32
        %dma_start3A_99 = arith.constant 0 : i32
        %dma_start3A_100 = tpu.memref_slice %arg2[%dma_start3A_98, %dma_start3A_99] : memref<20000x64xf32, #tpu.memory_space<hbm>> -> memref<20000x64xf32, #tpu.memory_space<hbm>>
        tpu.enqueue_indirect_dma source(%dma_start3A_100 : memref<20000x64xf32, #tpu.memory_space<hbm>>) target(%arg10 : memref<80x64xf32, #tpu.memory_space<vmem>>) offsets(%dma_start3A_97 : memref<80xi32, #tpu.memory_space<vmem>>) semaphore(%arg15 : memref<!tpu.dma_semaphore, #tpu.memory_space<semaphore_mem>>)
        %dma_wait3A_101 = arith.constant 4000 : i32
        %dma_wait3A_102 = tpu.memref_slice %arg7[%dma_wait3A_101] : memref<8000xi32, #tpu.memory_space<vmem>> -> memref<80xi32, #tpu.memory_space<vmem>>
        %dma_wait3A_103 = arith.constant 0 : i32
        %dma_wait3A_104 = arith.constant 0 : i32
        %dma_wait3A_105 = tpu.memref_slice %arg13[%dma_wait3A_103, %dma_wait3A_104] : memref<10112x128xf32, #tpu.memory_space<vmem_shared>> -> memref<10112x128xf32, #tpu.memory_space<vmem_shared>>
        tpu.wait_indirect_dma semaphore(%arg16 : memref<!tpu.dma_semaphore, #tpu.memory_space<semaphore_mem>>) src(%arg11 : memref<80x128xf32, #tpu.memory_space<vmem>>) dst(%dma_wait3A_105 : memref<10112x128xf32, #tpu.memory_space<vmem_shared>>)
        %dma_wait3A_106 = arith.constant 0 : i32
        %dma_wait3A_107 = tpu.memref_slice %arg7[%dma_wait3A_106] : memref<8000xi32, #tpu.memory_space<vmem>> -> memref<80xi32, #tpu.memory_space<vmem>>
        %dma_wait3A_108 = arith.constant 0 : i32
        %dma_wait3A_109 = arith.constant 0 : i32
        %dma_wait3A_110 = tpu.memref_slice %arg2[%dma_wait3A_108, %dma_wait3A_109] : memref<20000x64xf32, #tpu.memory_space<hbm>> -> memref<20000x64xf32, #tpu.memory_space<hbm>>
        tpu.wait_indirect_dma semaphore(%arg14 : memref<!tpu.dma_semaphore, #tpu.memory_space<semaphore_mem>>) src(%dma_wait3A_110 : memref<20000x64xf32, #tpu.memory_space<hbm>>) dst(%arg9 : memref<80x64xf32, #tpu.memory_space<vmem>>)
        %mul3A_111 = arith.constant 80 : i32
        %mul3A_112 = arith.muli %add3A_92, %mul3A_111 : i32
        %mul3A_113 = arith.constant 80 : i32
        %mul3A_114 = arith.muli %add3A_92, %mul3A_113 : i32
        %add3A_115 = arith.constant 4000 : i32
        %add3A_116 = arith.addi %add3A_115, %mul3A_114 : i32
        %scan3A_117 = arith.constant 0 : i32
        %scan3A_118 = arith.constant 0 : i32
        %scan3A_119 = arith.constant 80 : i32
        %scan3A_120 = arith.addi %scan3A_118, %scan3A_119 : i32
        %scan3A_121 = arith.constant 1 : i32
        scf.for %scan3A_167 = %scan3A_118 to %scan3A_120 step %scan3A_121  : i32 {
          %add3A_168 = arith.addi %mul3A_112, %scan3A_167 : i32
          %broadcast_in_dim3A = vector.broadcast %add3A_168 : i32 to vector<16xi32>
          %gather3A = tpu.vector_load_idx %arg8[%broadcast_in_dim3A] : memref<8000xf32, #tpu.memory_space<vmem>>[vector<16xi32>], vector<16xf32>,
          %add3A_169 = arith.addi %add3A_116, %scan3A_167 : i32
          %broadcast_in_dim3A_170 = vector.broadcast %add3A_169 : i32 to vector<16xi32>
          %gather3A_171 = tpu.vector_load_idx %arg8[%broadcast_in_dim3A_170] : memref<8000xf32, #tpu.memory_space<vmem>>[vector<16xi32>], vector<16xf32>,
          %get3A = arith.index_cast %scan3A_167 : i32 to index
          %get3A_172 = arith.constant 0 : index
          %get3A_173 = tpu.vector_load %arg9[%get3A, %get3A_172] {strides = array<i32>} : memref<80x64xf32, #tpu.memory_space<vmem>>, vector<16xf32>,
          %mul3A_174 = arith.mulf %get3A_173, %gather3A : vector<16xf32>
          %swap3A = arith.index_cast %scan3A_167 : i32 to index
          %swap3A_175 = arith.constant 0 : index
          %swap3A_176 = tpu.vector_load %arg11[%swap3A, %swap3A_175] {strides = array<i32>} : memref<80x128xf32, #tpu.memory_space<vmem>>, vector<16xf32>,
          tpu.vector_store %arg11[%swap3A, %swap3A_175], %mul3A_174 {strides = array<i32>} : memref<80x128xf32, #tpu.memory_space<vmem>>, vector<16xf32>,
          %mul3A_177 = arith.mulf %get3A_173, %gather3A_171 : vector<16xf32>
          %swap3A_178 = arith.index_cast %scan3A_167 : i32 to index
          %swap3A_179 = arith.constant 64 : index
          %swap3A_180 = tpu.vector_load %arg11[%swap3A_178, %swap3A_179] {strides = array<i32>} : memref<80x128xf32, #tpu.memory_space<vmem>>, vector<16xf32>,
          tpu.vector_store %arg11[%swap3A_178, %swap3A_179], %mul3A_177 {strides = array<i32>} : memref<80x128xf32, #tpu.memory_space<vmem>>, vector<16xf32>,
          %get3A_181 = arith.index_cast %scan3A_167 : i32 to index
          %get3A_182 = arith.constant 16 : index
          %get3A_183 = tpu.vector_load %arg9[%get3A_181, %get3A_182] {strides = array<i32>} : memref<80x64xf32, #tpu.memory_space<vmem>>, vector<16xf32>,
          %mul3A_184 = arith.mulf %get3A_183, %gather3A : vector<16xf32>
          %swap3A_185 = arith.index_cast %scan3A_167 : i32 to index
          %swap3A_186 = arith.constant 16 : index
          %swap3A_187 = tpu.vector_load %arg11[%swap3A_185, %swap3A_186] {strides = array<i32>} : memref<80x128xf32, #tpu.memory_space<vmem>>, vector<16xf32>,
          tpu.vector_store %arg11[%swap3A_185, %swap3A_186], %mul3A_184 {strides = array<i32>} : memref<80x128xf32, #tpu.memory_space<vmem>>, vector<16xf32>,
          %mul3A_188 = arith.mulf %get3A_183, %gather3A_171 : vector<16xf32>
          %swap3A_189 = arith.index_cast %scan3A_167 : i32 to index
          %swap3A_190 = arith.constant 80 : index
          %swap3A_191 = tpu.vector_load %arg11[%swap3A_189, %swap3A_190] {strides = array<i32>} : memref<80x128xf32, #tpu.memory_space<vmem>>, vector<16xf32>,
          tpu.vector_store %arg11[%swap3A_189, %swap3A_190], %mul3A_188 {strides = array<i32>} : memref<80x128xf32, #tpu.memory_space<vmem>>, vector<16xf32>,
          %get3A_192 = arith.index_cast %scan3A_167 : i32 to index
          %get3A_193 = arith.constant 32 : index
          %get3A_194 = tpu.vector_load %arg9[%get3A_192, %get3A_193] {strides = array<i32>} : memref<80x64xf32, #tpu.memory_space<vmem>>, vector<16xf32>,
          %mul3A_195 = arith.mulf %get3A_194, %gather3A : vector<16xf32>
          %swap3A_196 = arith.index_cast %scan3A_167 : i32 to index
          %swap3A_197 = arith.constant 32 : index
          %swap3A_198 = tpu.vector_load %arg11[%swap3A_196, %swap3A_197] {strides = array<i32>} : memref<80x128xf32, #tpu.memory_space<vmem>>, vector<16xf32>,
          tpu.vector_store %arg11[%swap3A_196, %swap3A_197], %mul3A_195 {strides = array<i32>} : memref<80x128xf32, #tpu.memory_space<vmem>>, vector<16xf32>,
          %mul3A_199 = arith.mulf %get3A_194, %gather3A_171 : vector<16xf32>
          %swap3A_200 = arith.index_cast %scan3A_167 : i32 to index
          %swap3A_201 = arith.constant 96 : index
          %swap3A_202 = tpu.vector_load %arg11[%swap3A_200, %swap3A_201] {strides = array<i32>} : memref<80x128xf32, #tpu.memory_space<vmem>>, vector<16xf32>,
          tpu.vector_store %arg11[%swap3A_200, %swap3A_201], %mul3A_199 {strides = array<i32>} : memref<80x128xf32, #tpu.memory_space<vmem>>, vector<16xf32>,
          %get3A_203 = arith.index_cast %scan3A_167 : i32 to index
          %get3A_204 = arith.constant 48 : index
          %get3A_205 = tpu.vector_load %arg9[%get3A_203, %get3A_204] {strides = array<i32>} : memref<80x64xf32, #tpu.memory_space<vmem>>, vector<16xf32>,
          %mul3A_206 = arith.mulf %get3A_205, %gather3A : vector<16xf32>
          %swap3A_207 = arith.index_cast %scan3A_167 : i32 to index
          %swap3A_208 = arith.constant 48 : index
          %swap3A_209 = tpu.vector_load %arg11[%swap3A_207, %swap3A_208] {strides = array<i32>} : memref<80x128xf32, #tpu.memory_space<vmem>>, vector<16xf32>,
          tpu.vector_store %arg11[%swap3A_207, %swap3A_208], %mul3A_206 {strides = array<i32>} : memref<80x128xf32, #tpu.memory_space<vmem>>, vector<16xf32>,
          %mul3A_210 = arith.mulf %get3A_205, %gather3A_171 : vector<16xf32>
          %swap3A_211 = arith.index_cast %scan3A_167 : i32 to index
          %swap3A_212 = arith.constant 112 : index
          %swap3A_213 = tpu.vector_load %arg11[%swap3A_211, %swap3A_212] {strides = array<i32>} : memref<80x128xf32, #tpu.memory_space<vmem>>, vector<16xf32>,
          tpu.vector_store %arg11[%swap3A_211, %swap3A_212], %mul3A_210 {strides = array<i32>} : memref<80x128xf32, #tpu.memory_space<vmem>>, vector<16xf32>,
        }
        %scan3A_122 = arith.constant 80 : i32
        %mul3A_123 = arith.constant 80 : i32
        %mul3A_124 = arith.muli %add3A_92, %mul3A_123 : i32
        %add3A_125 = arith.constant 4000 : i32
        %add3A_126 = arith.addi %add3A_125, %mul3A_124 : i32
        %dma_start3A_127 = tpu.memref_slice %arg7[%add3A_126] : memref<8000xi32, #tpu.memory_space<vmem>> -> memref<80xi32, #tpu.memory_space<vmem>>
        %dma_start3A_128 = arith.constant 0 : i32
        %dma_start3A_129 = arith.constant 0 : i32
        %dma_start3A_130 = tpu.memref_slice %arg13[%dma_start3A_128, %dma_start3A_129] : memref<10112x128xf32, #tpu.memory_space<vmem_shared>> -> memref<10112x128xf32, #tpu.memory_space<vmem_shared>>
        tpu.enqueue_indirect_dma source(%arg11 : memref<80x128xf32, #tpu.memory_space<vmem>>) target(%dma_start3A_130 : memref<10112x128xf32, #tpu.memory_space<vmem_shared>>) offsets(%dma_start3A_127 : memref<80xi32, #tpu.memory_space<vmem>>) semaphore(%arg16 : memref<!tpu.dma_semaphore, #tpu.memory_space<semaphore_mem>>) {add = true}
        %lt3A = arith.constant 48 : i32
        %lt3A_131 = arith.cmpi slt, %add3A_92, %lt3A : i32
        %convert_element_type3A = arith.extui %lt3A_131 : i1 to i32
        %cond3A = arith.constant 0 : i32
        %cond3A_132 = arith.cmpi ne, %convert_element_type3A, %cond3A : i32
        scf.if %cond3A_132 {
          %add3A_167 = arith.constant 2 : i32
          %add3A_168 = arith.addi %add3A_92, %add3A_167 : i32
          %mul3A_169 = arith.constant 80 : i32
          %mul3A_170 = arith.muli %add3A_168, %mul3A_169 : i32
          %dma_start3A_171 = tpu.memref_slice %arg7[%mul3A_170] : memref<8000xi32, #tpu.memory_space<vmem>> -> memref<80xi32, #tpu.memory_space<vmem>>
          %dma_start3A_172 = arith.constant 0 : i32
          %dma_start3A_173 = arith.constant 0 : i32
          %dma_start3A_174 = tpu.memref_slice %arg2[%dma_start3A_172, %dma_start3A_173] : memref<20000x64xf32, #tpu.memory_space<hbm>> -> memref<20000x64xf32, #tpu.memory_space<hbm>>
          tpu.enqueue_indirect_dma source(%dma_start3A_174 : memref<20000x64xf32, #tpu.memory_space<hbm>>) target(%arg9 : memref<80x64xf32, #tpu.memory_space<vmem>>) offsets(%dma_start3A_171 : memref<80xi32, #tpu.memory_space<vmem>>) semaphore(%arg14 : memref<!tpu.dma_semaphore, #tpu.memory_space<semaphore_mem>>)
        } else {
        }
        %dma_wait3A_133 = arith.constant 4000 : i32
        %dma_wait3A_134 = tpu.memref_slice %arg7[%dma_wait3A_133] : memref<8000xi32, #tpu.memory_space<vmem>> -> memref<80xi32, #tpu.memory_space<vmem>>
        %dma_wait3A_135 = arith.constant 0 : i32
        %dma_wait3A_136 = arith.constant 0 : i32
        %dma_wait3A_137 = tpu.memref_slice %arg13[%dma_wait3A_135, %dma_wait3A_136] : memref<10112x128xf32, #tpu.memory_space<vmem_shared>> -> memref<10112x128xf32, #tpu.memory_space<vmem_shared>>
        tpu.wait_indirect_dma semaphore(%arg17 : memref<!tpu.dma_semaphore, #tpu.memory_space<semaphore_mem>>) src(%arg12 : memref<80x128xf32, #tpu.memory_space<vmem>>) dst(%dma_wait3A_137 : memref<10112x128xf32, #tpu.memory_space<vmem_shared>>)
        %dma_wait3A_138 = arith.constant 0 : i32
        %dma_wait3A_139 = tpu.memref_slice %arg7[%dma_wait3A_138] : memref<8000xi32, #tpu.memory_space<vmem>> -> memref<80xi32, #tpu.memory_space<vmem>>
        %dma_wait3A_140 = arith.constant 0 : i32
        %dma_wait3A_141 = arith.constant 0 : i32
        %dma_wait3A_142 = tpu.memref_slice %arg2[%dma_wait3A_140, %dma_wait3A_141] : memref<20000x64xf32, #tpu.memory_space<hbm>> -> memref<20000x64xf32, #tpu.memory_space<hbm>>
        tpu.wait_indirect_dma semaphore(%arg15 : memref<!tpu.dma_semaphore, #tpu.memory_space<semaphore_mem>>) src(%dma_wait3A_142 : memref<20000x64xf32, #tpu.memory_space<hbm>>) dst(%arg10 : memref<80x64xf32, #tpu.memory_space<vmem>>)
        %add3A_143 = arith.constant 1 : i32
        %add3A_144 = arith.addi %add3A_92, %add3A_143 : i32
        %mul3A_145 = arith.constant 80 : i32
        %mul3A_146 = arith.muli %add3A_144, %mul3A_145 : i32
        %mul3A_147 = arith.constant 80 : i32
        %mul3A_148 = arith.muli %add3A_144, %mul3A_147 : i32
        %add3A_149 = arith.constant 4000 : i32
        %add3A_150 = arith.addi %add3A_149, %mul3A_148 : i32
        %scan3A_151 = arith.constant 0 : i32
        %scan3A_152 = arith.constant 0 : i32
        %scan3A_153 = arith.constant 80 : i32
        %scan3A_154 = arith.addi %scan3A_152, %scan3A_153 : i32
        %scan3A_155 = arith.constant 1 : i32
        scf.for %scan3A_167 = %scan3A_152 to %scan3A_154 step %scan3A_155  : i32 {
          %add3A_168 = arith.addi %mul3A_146, %scan3A_167 : i32
          %broadcast_in_dim3A = vector.broadcast %add3A_168 : i32 to vector<16xi32>
          %gather3A = tpu.vector_load_idx %arg8[%broadcast_in_dim3A] : memref<8000xf32, #tpu.memory_space<vmem>>[vector<16xi32>], vector<16xf32>,
          %add3A_169 = arith.addi %add3A_150, %scan3A_167 : i32
          %broadcast_in_dim3A_170 = vector.broadcast %add3A_169 : i32 to vector<16xi32>
          %gather3A_171 = tpu.vector_load_idx %arg8[%broadcast_in_dim3A_170] : memref<8000xf32, #tpu.memory_space<vmem>>[vector<16xi32>], vector<16xf32>,
          %get3A = arith.index_cast %scan3A_167 : i32 to index
          %get3A_172 = arith.constant 0 : index
          %get3A_173 = tpu.vector_load %arg10[%get3A, %get3A_172] {strides = array<i32>} : memref<80x64xf32, #tpu.memory_space<vmem>>, vector<16xf32>,
          %mul3A_174 = arith.mulf %get3A_173, %gather3A : vector<16xf32>
          %swap3A = arith.index_cast %scan3A_167 : i32 to index
          %swap3A_175 = arith.constant 0 : index
          %swap3A_176 = tpu.vector_load %arg12[%swap3A, %swap3A_175] {strides = array<i32>} : memref<80x128xf32, #tpu.memory_space<vmem>>, vector<16xf32>,
          tpu.vector_store %arg12[%swap3A, %swap3A_175], %mul3A_174 {strides = array<i32>} : memref<80x128xf32, #tpu.memory_space<vmem>>, vector<16xf32>,
          %mul3A_177 = arith.mulf %get3A_173, %gather3A_171 : vector<16xf32>
          %swap3A_178 = arith.index_cast %scan3A_167 : i32 to index
          %swap3A_179 = arith.constant 64 : index
          %swap3A_180 = tpu.vector_load %arg12[%swap3A_178, %swap3A_179] {strides = array<i32>} : memref<80x128xf32, #tpu.memory_space<vmem>>, vector<16xf32>,
          tpu.vector_store %arg12[%swap3A_178, %swap3A_179], %mul3A_177 {strides = array<i32>} : memref<80x128xf32, #tpu.memory_space<vmem>>, vector<16xf32>,
          %get3A_181 = arith.index_cast %scan3A_167 : i32 to index
          %get3A_182 = arith.constant 16 : index
          %get3A_183 = tpu.vector_load %arg10[%get3A_181, %get3A_182] {strides = array<i32>} : memref<80x64xf32, #tpu.memory_space<vmem>>, vector<16xf32>,
          %mul3A_184 = arith.mulf %get3A_183, %gather3A : vector<16xf32>
          %swap3A_185 = arith.index_cast %scan3A_167 : i32 to index
          %swap3A_186 = arith.constant 16 : index
          %swap3A_187 = tpu.vector_load %arg12[%swap3A_185, %swap3A_186] {strides = array<i32>} : memref<80x128xf32, #tpu.memory_space<vmem>>, vector<16xf32>,
          tpu.vector_store %arg12[%swap3A_185, %swap3A_186], %mul3A_184 {strides = array<i32>} : memref<80x128xf32, #tpu.memory_space<vmem>>, vector<16xf32>,
          %mul3A_188 = arith.mulf %get3A_183, %gather3A_171 : vector<16xf32>
          %swap3A_189 = arith.index_cast %scan3A_167 : i32 to index
          %swap3A_190 = arith.constant 80 : index
          %swap3A_191 = tpu.vector_load %arg12[%swap3A_189, %swap3A_190] {strides = array<i32>} : memref<80x128xf32, #tpu.memory_space<vmem>>, vector<16xf32>,
          tpu.vector_store %arg12[%swap3A_189, %swap3A_190], %mul3A_188 {strides = array<i32>} : memref<80x128xf32, #tpu.memory_space<vmem>>, vector<16xf32>,
          %get3A_192 = arith.index_cast %scan3A_167 : i32 to index
          %get3A_193 = arith.constant 32 : index
          %get3A_194 = tpu.vector_load %arg10[%get3A_192, %get3A_193] {strides = array<i32>} : memref<80x64xf32, #tpu.memory_space<vmem>>, vector<16xf32>,
          %mul3A_195 = arith.mulf %get3A_194, %gather3A : vector<16xf32>
          %swap3A_196 = arith.index_cast %scan3A_167 : i32 to index
          %swap3A_197 = arith.constant 32 : index
          %swap3A_198 = tpu.vector_load %arg12[%swap3A_196, %swap3A_197] {strides = array<i32>} : memref<80x128xf32, #tpu.memory_space<vmem>>, vector<16xf32>,
          tpu.vector_store %arg12[%swap3A_196, %swap3A_197], %mul3A_195 {strides = array<i32>} : memref<80x128xf32, #tpu.memory_space<vmem>>, vector<16xf32>,
          %mul3A_199 = arith.mulf %get3A_194, %gather3A_171 : vector<16xf32>
          %swap3A_200 = arith.index_cast %scan3A_167 : i32 to index
          %swap3A_201 = arith.constant 96 : index
          %swap3A_202 = tpu.vector_load %arg12[%swap3A_200, %swap3A_201] {strides = array<i32>} : memref<80x128xf32, #tpu.memory_space<vmem>>, vector<16xf32>,
          tpu.vector_store %arg12[%swap3A_200, %swap3A_201], %mul3A_199 {strides = array<i32>} : memref<80x128xf32, #tpu.memory_space<vmem>>, vector<16xf32>,
          %get3A_203 = arith.index_cast %scan3A_167 : i32 to index
          %get3A_204 = arith.constant 48 : index
          %get3A_205 = tpu.vector_load %arg10[%get3A_203, %get3A_204] {strides = array<i32>} : memref<80x64xf32, #tpu.memory_space<vmem>>, vector<16xf32>,
          %mul3A_206 = arith.mulf %get3A_205, %gather3A : vector<16xf32>
          %swap3A_207 = arith.index_cast %scan3A_167 : i32 to index
          %swap3A_208 = arith.constant 48 : index
          %swap3A_209 = tpu.vector_load %arg12[%swap3A_207, %swap3A_208] {strides = array<i32>} : memref<80x128xf32, #tpu.memory_space<vmem>>, vector<16xf32>,
          tpu.vector_store %arg12[%swap3A_207, %swap3A_208], %mul3A_206 {strides = array<i32>} : memref<80x128xf32, #tpu.memory_space<vmem>>, vector<16xf32>,
          %mul3A_210 = arith.mulf %get3A_205, %gather3A_171 : vector<16xf32>
          %swap3A_211 = arith.index_cast %scan3A_167 : i32 to index
          %swap3A_212 = arith.constant 112 : index
          %swap3A_213 = tpu.vector_load %arg12[%swap3A_211, %swap3A_212] {strides = array<i32>} : memref<80x128xf32, #tpu.memory_space<vmem>>, vector<16xf32>,
          tpu.vector_store %arg12[%swap3A_211, %swap3A_212], %mul3A_210 {strides = array<i32>} : memref<80x128xf32, #tpu.memory_space<vmem>>, vector<16xf32>,
        }
        %scan3A_156 = arith.constant 80 : i32
        %add3A_157 = arith.constant 1 : i32
        %add3A_158 = arith.addi %add3A_92, %add3A_157 : i32
        %mul3A_159 = arith.constant 80 : i32
        %mul3A_160 = arith.muli %add3A_158, %mul3A_159 : i32
        %add3A_161 = arith.constant 4000 : i32
        %add3A_162 = arith.addi %add3A_161, %mul3A_160 : i32
        %dma_start3A_163 = tpu.memref_slice %arg7[%add3A_162] : memref<8000xi32, #tpu.memory_space<vmem>> -> memref<80xi32, #tpu.memory_space<vmem>>
        %dma_start3A_164 = arith.constant 0 : i32
        %dma_start3A_165 = arith.constant 0 : i32
        %dma_start3A_166 = tpu.memref_slice %arg13[%dma_start3A_164, %dma_start3A_165] : memref<10112x128xf32, #tpu.memory_space<vmem_shared>> -> memref<10112x128xf32, #tpu.memory_space<vmem_shared>>
        tpu.enqueue_indirect_dma source(%arg12 : memref<80x128xf32, #tpu.memory_space<vmem>>) target(%dma_start3A_166 : memref<10112x128xf32, #tpu.memory_space<vmem_shared>>) offsets(%dma_start3A_163 : memref<80xi32, #tpu.memory_space<vmem>>) semaphore(%arg17 : memref<!tpu.dma_semaphore, #tpu.memory_space<semaphore_mem>>) {add = true}
      }
      %scan3A_77 = arith.constant 24 : i32
      %dma_wait3A_78 = arith.constant 4000 : i32
      %dma_wait3A_79 = tpu.memref_slice %arg7[%dma_wait3A_78] : memref<8000xi32, #tpu.memory_space<vmem>> -> memref<80xi32, #tpu.memory_space<vmem>>
      %dma_wait3A_80 = arith.constant 0 : i32
      %dma_wait3A_81 = arith.constant 0 : i32
      %dma_wait3A_82 = tpu.memref_slice %arg13[%dma_wait3A_80, %dma_wait3A_81] : memref<10112x128xf32, #tpu.memory_space<vmem_shared>> -> memref<10112x128xf32, #tpu.memory_space<vmem_shared>>
      tpu.wait_indirect_dma semaphore(%arg16 : memref<!tpu.dma_semaphore, #tpu.memory_space<semaphore_mem>>) src(%arg11 : memref<80x128xf32, #tpu.memory_space<vmem>>) dst(%dma_wait3A_82 : memref<10112x128xf32, #tpu.memory_space<vmem_shared>>)
      %dma_wait3A_83 = arith.constant 4000 : i32
      %dma_wait3A_84 = tpu.memref_slice %arg7[%dma_wait3A_83] : memref<8000xi32, #tpu.memory_space<vmem>> -> memref<80xi32, #tpu.memory_space<vmem>>
      %dma_wait3A_85 = arith.constant 0 : i32
      %dma_wait3A_86 = arith.constant 0 : i32
      %dma_wait3A_87 = tpu.memref_slice %arg13[%dma_wait3A_85, %dma_wait3A_86] : memref<10112x128xf32, #tpu.memory_space<vmem_shared>> -> memref<10112x128xf32, #tpu.memory_space<vmem_shared>>
      tpu.wait_indirect_dma semaphore(%arg17 : memref<!tpu.dma_semaphore, #tpu.memory_space<semaphore_mem>>) src(%arg12 : memref<80x128xf32, #tpu.memory_space<vmem>>) dst(%dma_wait3A_87 : memref<10112x128xf32, #tpu.memory_space<vmem_shared>>)
    }
    %scan3A_5 = arith.constant 5 : i32
    %barrier3A_6 = arith.constant 0 : index
    tpu.barrier barrier_id(%barrier3A_6)
    %mul3A_7 = arith.constant 632 : i32
    %mul3A_8 = arith.muli %arg1, %mul3A_7 : i32
    %mul3A_9 = arith.constant 10112 : i32
    %mul3A_10 = arith.muli %arg0, %mul3A_9 : i32
    %mul3A_11 = arith.constant 632 : i32
    %mul3A_12 = arith.muli %arg1, %mul3A_11 : i32
    %add3A = arith.addi %mul3A_10, %mul3A_12 : i32
    "tpu.region"() ({
      %run_scoped3A = tpu.sem_alloc : memref<!tpu.dma_semaphore, #tpu.memory_space<semaphore_mem>>
      %dma_start3A = arith.constant 0 : i32
      %dma_start3A_13 = tpu.memref_slice %arg6[%add3A, %dma_start3A] : memref<20224x128xf32, #tpu.memory_space<hbm>> -> memref<632x128xf32, #tpu.memory_space<hbm>>
      %dma_start3A_14 = arith.constant 0 : i32
      %dma_start3A_15 = tpu.memref_slice %arg13[%mul3A_8, %dma_start3A_14] : memref<10112x128xf32, #tpu.memory_space<vmem_shared>> -> memref<632x128xf32, #tpu.memory_space<vmem_shared>>
      tpu.enqueue_dma source(%dma_start3A_15 : memref<632x128xf32, #tpu.memory_space<vmem_shared>>) target(%dma_start3A_13 : memref<632x128xf32, #tpu.memory_space<hbm>>) target_semaphore(%run_scoped3A : memref<!tpu.dma_semaphore, #tpu.memory_space<semaphore_mem>>)
      %dma_wait3A = arith.constant 0 : i32
      %dma_wait3A_16 = tpu.memref_slice %arg6[%add3A, %dma_wait3A] : memref<20224x128xf32, #tpu.memory_space<hbm>> -> memref<632x128xf32, #tpu.memory_space<hbm>>
      %dma_wait3A_17 = arith.constant 0 : i32
      %dma_wait3A_18 = tpu.memref_slice %arg13[%mul3A_8, %dma_wait3A_17] : memref<10112x128xf32, #tpu.memory_space<vmem_shared>> -> memref<632x128xf32, #tpu.memory_space<vmem_shared>>
      tpu.wait_dma2 semaphore(%run_scoped3A : memref<!tpu.dma_semaphore, #tpu.memory_space<semaphore_mem>>) src(%dma_wait3A_18 : memref<632x128xf32, #tpu.memory_space<vmem_shared>>) dst(%dma_wait3A_16 : memref<632x128xf32, #tpu.memory_space<hbm>>)
      tpu.yield
    }) : () -> ()
    return
  }
}

module attributes {stable_mosaic.version = 14 : i64} {
  func.func @body(%arg0: i32, %arg1: memref<2x1000x128xf32, #tpu.memory_space<vmem>>, %arg2: memref<128x128xf32, #tpu.memory_space<vmem>>, %arg3: memref<1x128xf32, #tpu.memory_space<vmem>>, %arg4: memref<2x1000x64xf32, #tpu.memory_space<vmem>>) attributes {dimension_semantics = [#tpu.dimension_semantics<arbitrary>], iteration_bounds = array<i64: 10>, scalar_prefetch = 0 : i64, scratch_operands = 0 : i64, tpu.core_type = #tpu.core_type<tc>, window_params = [{transform_indices = @transform_0, window_bounds = array<i64: 2, 1000, 128>}, {pipeline_mode = #tpu.pipeline_mode<synchronous>, transform_indices = @transform_1, window_bounds = array<i64: 128, 128>}, {pipeline_mode = #tpu.pipeline_mode<synchronous>, transform_indices = @transform_2, window_bounds = array<i64: 1, 128>}, {transform_indices = @transform_3, window_bounds = array<i64: 2, 1000, 64>}]} {
    %get3A = arith.constant 0 : index
    %get3A_0 = arith.constant 0 : index
    %get3A_1 = arith.constant 0 : index
    %get3A_2 = vector.load %arg1[%get3A, %get3A_0, %get3A_1] : memref<2x1000x128xf32, #tpu.memory_space<vmem>>, vector<1x1000x128xf32>
    %get3A_3 = vector.shape_cast %get3A_2 : vector<1x1000x128xf32> to vector<1000x128xf32>
    %get3A_4 = arith.constant 1 : index
    %get3A_5 = arith.constant 0 : index
    %get3A_6 = arith.constant 0 : index
    %get3A_7 = vector.load %arg1[%get3A_4, %get3A_5, %get3A_6] : memref<2x1000x128xf32, #tpu.memory_space<vmem>>, vector<1x1000x128xf32>
    %get3A_8 = vector.shape_cast %get3A_7 : vector<1x1000x128xf32> to vector<1000x128xf32>
    %slice3A = vector.extract_strided_slice %get3A_3 {offsets = [0, 0], sizes = [1000, 64], strides = [1, 1]} : vector<1000x128xf32> to vector<1000x64xf32>
    %slice3A_9 = vector.extract_strided_slice %get3A_8 {offsets = [0, 0], sizes = [1000, 64], strides = [1, 1]} : vector<1000x128xf32> to vector<1000x64xf32>
    %concatenate3A = tpu.concatenate %slice3A, %slice3A_9 in 1 : vector<1000x64xf32>, vector<1000x64xf32> -> vector<1000x128xf32>
    %slice3A_10 = vector.extract_strided_slice %get3A_3 {offsets = [0, 64], sizes = [1000, 64], strides = [1, 1]} : vector<1000x128xf32> to vector<1000x64xf32>
    %slice3A_11 = vector.extract_strided_slice %get3A_8 {offsets = [0, 64], sizes = [1000, 64], strides = [1, 1]} : vector<1000x128xf32> to vector<1000x64xf32>
    %concatenate3A_12 = tpu.concatenate %slice3A_10, %slice3A_11 in 1 : vector<1000x64xf32>, vector<1000x64xf32> -> vector<1000x128xf32>
    %get3A_13 = arith.constant 0 : index
    %get3A_14 = arith.constant 0 : index
    %get3A_15 = vector.load %arg2[%get3A_13, %get3A_14] : memref<128x128xf32, #tpu.memory_space<vmem>>, vector<128x128xf32>
    %dot_general3A = arith.constant dense<0.000000e+00> : vector<1000x128xf32>
    %dot_general3A_16 = tpu.matmul %concatenate3A_12, %get3A_15, %dot_general3A {dimension_numbers = #tpu.dot_dimension_numbers<[1], [1], [0], [0], [0, 0, 1, 0], [], []>, transpose_lhs_hint = false} : vector<1000x128xf32>, vector<128x128xf32>, vector<1000x128xf32> -> vector<1000x128xf32>
    %get3A_17 = arith.constant 0 : index
    %get3A_18 = arith.constant 0 : index
    %get3A_19 = vector.load %arg3[%get3A_17, %get3A_18] : memref<1x128xf32, #tpu.memory_space<vmem>>, vector<1x128xf32>
    %add3A = vector.broadcast %get3A_19 : vector<1x128xf32> to vector<1000x128xf32>
    %add3A_20 = arith.addf %dot_general3A_16, %add3A : vector<1000x128xf32>
    %max3A = arith.constant 0.000000e+00 : f32
    %max3A_21 = vector.broadcast %max3A : f32 to vector<1000x128xf32>
    %max3A_22 = arith.maximumf %add3A_20, %max3A_21 : vector<1000x128xf32>
    %add3A_23 = arith.addf %max3A_22, %concatenate3A : vector<1000x128xf32>
    %slice3A_24 = vector.extract_strided_slice %add3A_23 {offsets = [0, 0], sizes = [1000, 64], strides = [1, 1]} : vector<1000x128xf32> to vector<1000x64xf32>
    %swap3A = arith.constant 0 : index
    %swap3A_25 = arith.constant 0 : index
    %swap3A_26 = arith.constant 0 : index
    %swap3A_27 = vector.load %arg4[%swap3A, %swap3A_25, %swap3A_26] : memref<2x1000x64xf32, #tpu.memory_space<vmem>>, vector<1x1000x64xf32>
    %swap3A_28 = vector.shape_cast %swap3A_27 : vector<1x1000x64xf32> to vector<1000x64xf32>
    %swap3A_29 = vector.shape_cast %slice3A_24 : vector<1000x64xf32> to vector<1x1000x64xf32>
    tpu.vector_store %arg4[%swap3A, %swap3A_25, %swap3A_26], %swap3A_29 {strides = array<i32>} : memref<2x1000x64xf32, #tpu.memory_space<vmem>>, vector<1x1000x64xf32>,
    %slice3A_30 = vector.extract_strided_slice %add3A_23 {offsets = [0, 64], sizes = [1000, 64], strides = [1, 1]} : vector<1000x128xf32> to vector<1000x64xf32>
    %swap3A_31 = arith.constant 1 : index
    %swap3A_32 = arith.constant 0 : index
    %swap3A_33 = arith.constant 0 : index
    %swap3A_34 = vector.load %arg4[%swap3A_31, %swap3A_32, %swap3A_33] : memref<2x1000x64xf32, #tpu.memory_space<vmem>>, vector<1x1000x64xf32>
    %swap3A_35 = vector.shape_cast %swap3A_34 : vector<1x1000x64xf32> to vector<1000x64xf32>
    %swap3A_36 = vector.shape_cast %slice3A_30 : vector<1000x64xf32> to vector<1x1000x64xf32>
    tpu.vector_store %arg4[%swap3A_31, %swap3A_32, %swap3A_33], %swap3A_36 {strides = array<i32>} : memref<2x1000x64xf32, #tpu.memory_space<vmem>>, vector<1x1000x64xf32>,
    return
  }
  func.func @transform_0(%arg0: i32) -> (i32, i32, i32) {
    %c0_i32 = arith.constant 0 : i32
    %c0_i32_0 = arith.constant 0 : i32
    %c0_i32_1 = arith.constant 0 : i32
    return %c0_i32, %arg0, %c0_i32_0 : i32, i32, i32
  }
  func.func @transform_1(%arg0: i32) -> (i32, i32) {
    %c0_i32 = arith.constant 0 : i32
    %c0_i32_0 = arith.constant 0 : i32
    %c0_i32_1 = arith.constant 0 : i32
    return %c0_i32, %c0_i32_0 : i32, i32
  }
  func.func @transform_2(%arg0: i32) -> (i32, i32) {
    %c0_i32 = arith.constant 0 : i32
    %c0_i32_0 = arith.constant 0 : i32
    %c0_i32_1 = arith.constant 0 : i32
    return %c0_i32, %c0_i32_0 : i32, i32
  }
  func.func @transform_3(%arg0: i32) -> (i32, i32, i32) {
    %c0_i32 = arith.constant 0 : i32
    %c0_i32_0 = arith.constant 0 : i32
    %c0_i32_1 = arith.constant 0 : i32
    return %c0_i32, %arg0, %c0_i32_0 : i32, i32, i32
  }
}

module attributes {stable_mosaic.version = 14 : i64} {
  func.func @body(%arg0: i32, %arg1: memref<2x1000x128xf32, #tpu.memory_space<vmem>>, %arg2: memref<128x128xf32, #tpu.memory_space<vmem>>, %arg3: memref<1x128xf32, #tpu.memory_space<vmem>>, %arg4: memref<1000x128xf32, #tpu.memory_space<vmem>>) attributes {dimension_semantics = [#tpu.dimension_semantics<arbitrary>], iteration_bounds = array<i64: 10>, scalar_prefetch = 0 : i64, scratch_operands = 0 : i64, tpu.core_type = #tpu.core_type<tc>, window_params = [{transform_indices = @transform_0, window_bounds = array<i64: 2, 1000, 128>}, {pipeline_mode = #tpu.pipeline_mode<synchronous>, transform_indices = @transform_1, window_bounds = array<i64: 128, 128>}, {pipeline_mode = #tpu.pipeline_mode<synchronous>, transform_indices = @transform_2, window_bounds = array<i64: 1, 128>}, {transform_indices = @transform_3, window_bounds = array<i64: 1000, 128>}]} {
    %get3A = arith.constant 0 : index
    %get3A_0 = arith.constant 0 : index
    %get3A_1 = arith.constant 0 : index
    %get3A_2 = vector.load %arg1[%get3A, %get3A_0, %get3A_1] : memref<2x1000x128xf32, #tpu.memory_space<vmem>>, vector<1x1000x128xf32>
    %get3A_3 = vector.shape_cast %get3A_2 : vector<1x1000x128xf32> to vector<1000x128xf32>
    %get3A_4 = arith.constant 1 : index
    %get3A_5 = arith.constant 0 : index
    %get3A_6 = arith.constant 0 : index
    %get3A_7 = vector.load %arg1[%get3A_4, %get3A_5, %get3A_6] : memref<2x1000x128xf32, #tpu.memory_space<vmem>>, vector<1x1000x128xf32>
    %get3A_8 = vector.shape_cast %get3A_7 : vector<1x1000x128xf32> to vector<1000x128xf32>
    %slice3A = vector.extract_strided_slice %get3A_3 {offsets = [0, 0], sizes = [1000, 64], strides = [1, 1]} : vector<1000x128xf32> to vector<1000x64xf32>
    %slice3A_9 = vector.extract_strided_slice %get3A_8 {offsets = [0, 0], sizes = [1000, 64], strides = [1, 1]} : vector<1000x128xf32> to vector<1000x64xf32>
    %concatenate3A = tpu.concatenate %slice3A, %slice3A_9 in 1 : vector<1000x64xf32>, vector<1000x64xf32> -> vector<1000x128xf32>
    %slice3A_10 = vector.extract_strided_slice %get3A_3 {offsets = [0, 64], sizes = [1000, 64], strides = [1, 1]} : vector<1000x128xf32> to vector<1000x64xf32>
    %slice3A_11 = vector.extract_strided_slice %get3A_8 {offsets = [0, 64], sizes = [1000, 64], strides = [1, 1]} : vector<1000x128xf32> to vector<1000x64xf32>
    %concatenate3A_12 = tpu.concatenate %slice3A_10, %slice3A_11 in 1 : vector<1000x64xf32>, vector<1000x64xf32> -> vector<1000x128xf32>
    %get3A_13 = arith.constant 0 : index
    %get3A_14 = arith.constant 0 : index
    %get3A_15 = vector.load %arg2[%get3A_13, %get3A_14] : memref<128x128xf32, #tpu.memory_space<vmem>>, vector<128x128xf32>
    %dot_general3A = arith.constant dense<0.000000e+00> : vector<1000x128xf32>
    %dot_general3A_16 = tpu.matmul %concatenate3A_12, %get3A_15, %dot_general3A {dimension_numbers = #tpu.dot_dimension_numbers<[1], [1], [0], [0], [0, 0, 1, 0], [], []>, transpose_lhs_hint = false} : vector<1000x128xf32>, vector<128x128xf32>, vector<1000x128xf32> -> vector<1000x128xf32>
    %get3A_17 = arith.constant 0 : index
    %get3A_18 = arith.constant 0 : index
    %get3A_19 = vector.load %arg3[%get3A_17, %get3A_18] : memref<1x128xf32, #tpu.memory_space<vmem>>, vector<1x128xf32>
    %add3A = vector.broadcast %get3A_19 : vector<1x128xf32> to vector<1000x128xf32>
    %add3A_20 = arith.addf %dot_general3A_16, %add3A : vector<1000x128xf32>
    %max3A = arith.constant 0.000000e+00 : f32
    %max3A_21 = vector.broadcast %max3A : f32 to vector<1000x128xf32>
    %max3A_22 = arith.maximumf %add3A_20, %max3A_21 : vector<1000x128xf32>
    %add3A_23 = arith.addf %max3A_22, %concatenate3A : vector<1000x128xf32>
    %swap3A = arith.constant 0 : index
    %swap3A_24 = arith.constant 0 : index
    %swap3A_25 = vector.load %arg4[%swap3A, %swap3A_24] : memref<1000x128xf32, #tpu.memory_space<vmem>>, vector<1000x128xf32>
    tpu.vector_store %arg4[%swap3A, %swap3A_24], %add3A_23 {strides = array<i32>} : memref<1000x128xf32, #tpu.memory_space<vmem>>, vector<1000x128xf32>,
    return
  }
  func.func @transform_0(%arg0: i32) -> (i32, i32, i32) {
    %c0_i32 = arith.constant 0 : i32
    %c0_i32_0 = arith.constant 0 : i32
    %c0_i32_1 = arith.constant 0 : i32
    return %c0_i32, %arg0, %c0_i32_0 : i32, i32, i32
  }
  func.func @transform_1(%arg0: i32) -> (i32, i32) {
    %c0_i32 = arith.constant 0 : i32
    %c0_i32_0 = arith.constant 0 : i32
    %c0_i32_1 = arith.constant 0 : i32
    return %c0_i32, %c0_i32_0 : i32, i32
  }
  func.func @transform_2(%arg0: i32) -> (i32, i32) {
    %c0_i32 = arith.constant 0 : i32
    %c0_i32_0 = arith.constant 0 : i32
    %c0_i32_1 = arith.constant 0 : i32
    return %c0_i32, %c0_i32_0 : i32, i32
  }
  func.func @transform_3(%arg0: i32) -> (i32, i32) {
    %c0_i32 = arith.constant 0 : i32
    %c0_i32_0 = arith.constant 0 : i32
    return %arg0, %c0_i32 : i32, i32
  }
}

</mosaic_0001>

<sc_bundles>
// kernel: kernel.6.cloned.1.call-start
scs
__scs_entry_jumppad:
0x0: {  	(pc) =	sbr.rel $0x88, $3  }
0x1: {  	(tag) =	ssettag $0x0;
	lr =	simm.s32 $0x1  }
0x2: {  	[smem:$0x3F9B] =	sst lr;
	_ =	strace $0xD0000000  }
0x3: {  	_ = 	snop  }
0x4: {  	_ = 	snop  }
0x5: {  	_ = 	snop  }
0x6: {  	_ = 	snop  }
0x7: {  	_ = 	snop  }
__scs_overlays_trampoline_lowered:
0x8: {  	[smem:$0x3FAA] =	sst s0  }
0x9: {  	[smem:$0x3FAB] =	sst s1  }
0xa: {  	[smem:$0x3FAC] =	sst s2  }
0xb: {  	[smem:$0x3FAD] =	sst s3  }
0xc: {  	[smem:$0x3FAE] =	sst s4  }
0xd: {  	[smem:$0x3FAF] =	sst s5  }
0xe: {  	[smem:$0x3FB0] =	sst s6  }
0xf: {  	[smem:$0x3FB1] =	sst s7  }
0x10: {  	[smem:$0x3FB2] =	sst s8  }
0x11: {  	[smem:$0x3FB3] =	sst s9;
	s0 =	simm.s32 @!p0 $0x0  }
0x12: {  	s1 =	sld [smem:$0x3F99];
	s0 =	simm.s32 @p0 $0x1  }
0x13: {  	[smem:$0x3FB4] =	sst s0;
	s0 =	simm.s32 @!p1 $0x0  }
0x14: {  	s2 =	sld [smem:$0x3F98];
	s0 =	simm.s32 @p1 $0x1  }
0x15: {  	[smem:$0x3FB5] =	sst s0;
	s0 =	simm.s32 @!p2 $0x0  }
0x16: {  	s3 =	sld [smem:$0x3FDB];
	s0 =	simm.s32 @p2 $0x1  }
0x17: {  	s4 =	simm.s32 $0x1BF5;
	[smem:$0x3FB7] =	sst s0  }
0x18: {  	s0 =	sld [smem:$0x3F9A];
	_ =	swait.ge [sflag:s4], $0x0  }
0x19: {  	s7 =	sld [smem:$0x3F9B]  }
0x1a: {  	s8 =	sadd.s32 $0xFFFFE003, lr  }
0x1b: {  	s9 =	sadd.s32 $0xFFFFFEF7, lr;
	s5 =	simm.s32 $0xFFFFFFFF;
	p2 =	slt.u32 s8, $0xFFFFF086  }
0x1c: {  	p1 =	slt.u32 s9, $0xF7A;
	s5 =	simm.s32 @!p2 $0x0  }
0x1d: {  	s5 =	simm.s32 @p1 $0x1;
	p0 =	seq.s32 s7, s2  }
0x1e: {  	s7 =	smul.u32 @!p0 $0xF7A, s2;
	p2 =	seq.s32 @!p0 s5, $0x0  }
0x1f: {  	s9 =	smul.u32 $0xF7A, s1;
	s8 =	simm.s32 @!p0 $0x1BF5;
	p2 =	por !p2, p0  }
0x20: {  	[sflag:s8] =	ssyncset.s32 @!p0 $0xFFFFF086;
	s6 =	sadd.s32 @!p0 s3, s7;
	s7 =	simm.s32 @!p0 $0x108  }
0x21: {  	s3 =	sadd.s32 s3, s9;
	s6 =	sadd.s32 @!p0 $0x88, s6;
	s7 =	simm.s32 @p2 $0x1082  }
0x22: {  	[simem:s7], [sflag:s8] =	dma.local @!p0 [hbm:s6], $0xF7A  }
0x23: {  	s9 =	sor.u32 $0xD0000000, s2;
	s6 =	simm.s32 $0x108;
	_ =	swait.ge @!p0 [sflag:s8], $0x0  }
0x24: {  	s3 =	sadd.s32 $0x88, s3;
	s6 =	simm.s32 @!p1 $0x1082;
	[sflag:s4] =	ssyncset.s32 $0xFFFFF086  }
0x25: {  	[simem:s6], [sflag:s4] =	dma.local [hbm:s3], $0xF7A  }
0x26: {  	[smem:$0x3F9B] =	sst s1;
	(tag) =	ssettag s2;
	_ =	strace s9  }
0x27: {  	s1 =	sld [smem:$0x3FAB]  }
0x28: {  	s2 =	sld [smem:$0x3FAC]  }
0x29: {  	s4 =	sld [smem:$0x3FAE]  }
0x2a: {  	p0 =	seq.s32 s5, $0x0;
	s5 =	sld [smem:$0x3FAF]  }
0x2b: {  	s6 =	sld [smem:$0x3FB0]  }
0x2c: {  	s7 =	sld [smem:$0x3FB1]  }
0x2d: {  	s3 =	simm.s32 $0x108;
	s8 =	sld [smem:$0x3FB2]  }
0x2e: {  	s3 =	simm.s32 @!p0 $0x1082;
	s9 =	sld [smem:$0x3FB3]  }
0x2f: {  	lr =	sadd.s32 s0, s3;
	s0 =	sld [smem:$0x3FAA]  }
0x30: {  	s3 =	sld [smem:$0x3FAD]  }
0x31: {  	[smem:$0x3FB6] =	sst s10  }
0x32: {  	s10 =	sld [smem:$0x3FB4];
	_ =	sdelay $0x3  }
0x33: {  	p0 =	seq.s32 s10, $0x1;
	s10 =	sld [smem:$0x3FB6];
	_ =	sdelay $0x3  }
0x34: {  	[smem:$0x3FB6] =	sst s10  }
0x35: {  	s10 =	sld [smem:$0x3FB5];
	_ =	sdelay $0x3  }
0x36: {  	p1 =	seq.s32 s10, $0x1;
	s10 =	sld [smem:$0x3FB6];
	_ =	sdelay $0x3  }
0x37: {  	[smem:$0x3FB6] =	sst s10  }
0x38: {  	s10 =	sld [smem:$0x3FB7]  }
0x39: {  	_ = 	snop;
	(pc) =	sbr.ind lr, $3  }
0x3a: {  	_ = 	snop  }
0x3b: {  	_ = 	snop  }
0x3c: {  	p2 =	seq.s32 s10, $0x1;
	s10 =	sld [smem:$0x3FB6]  }
0x3d: {  	_ =	shalt  }
0x3e: {  	_ =	shalt  }
0x3f: {  	_ =	shalt  }
0x40: {  	_ =	shalt  }
0x41: {  	_ =	shalt  }
0x42: {  	_ =	shalt  }
0x43: {  	_ =	shalt  }
0x44: {  	_ =	shalt  }
0x45: {  	_ =	shalt  }
0x46: {  	_ =	shalt  }
0x47: {  	_ =	shalt  }
0x48: {  	_ =	shalt  }
0x49: {  	_ =	shalt  }
0x4a: {  	_ =	shalt  }
0x4b: {  	_ =	shalt  }
0x4c: {  	_ =	shalt  }
0x4d: {  	_ =	shalt  }
0x4e: {  	_ =	shalt  }
0x4f: {  	_ =	shalt  }
0x50: {  	_ =	shalt  }
0x51: {  	_ =	shalt  }
0x52: {  	_ =	shalt  }
0x53: {  	_ =	shalt  }
0x54: {  	_ =	shalt  }
0x55: {  	_ =	shalt  }
0x56: {  	_ =	shalt  }
0x57: {  	_ =	shalt  }
0x58: {  	_ =	shalt  }
0x59: {  	_ =	shalt  }
0x5a: {  	_ =	shalt  }
0x5b: {  	_ =	shalt  }
0x5c: {  	_ =	shalt  }
0x5d: {  	_ =	shalt  }
0x5e: {  	_ =	shalt  }
0x5f: {  	_ =	shalt  }
0x60: {  	_ =	shalt  }
0x61: {  	_ =	shalt  }
0x62: {  	_ =	shalt  }
0x63: {  	_ =	shalt  }
0x64: {  	_ =	shalt  }
0x65: {  	_ =	shalt  }
0x66: {  	_ =	shalt  }
0x67: {  	_ =	shalt  }
0x68: {  	_ =	shalt  }
0x69: {  	_ =	shalt  }
0x6a: {  	_ =	shalt  }
0x6b: {  	_ =	shalt  }
0x6c: {  	_ =	shalt  }
0x6d: {  	_ =	shalt  }
0x6e: {  	_ =	shalt  }
0x6f: {  	_ =	shalt  }
0x70: {  	_ =	shalt  }
0x71: {  	_ =	shalt  }
0x72: {  	_ =	shalt  }
0x73: {  	_ =	shalt  }
0x74: {  	_ =	shalt  }
0x75: {  	_ =	shalt  }
0x76: {  	_ =	shalt  }
0x77: {  	_ =	shalt  }
0x78: {  	_ =	shalt  }
0x79: {  	_ =	shalt  }
0x7a: {  	_ =	shalt  }
0x7b: {  	_ =	shalt  }
0x7c: {  	_ =	shalt  }
0x7d: {  	_ =	shalt  }
0x7e: {  	_ =	shalt  }
0x7f: {  	_ =	shalt  }
0x80: {  	_ =	shalt  }
0x81: {  	_ =	shalt  }
0x82: {  	_ =	shalt  }
0x83: {  	_ =	shalt  }
0x84: {  	_ =	shalt  }
0x85: {  	_ =	shalt  }
0x86: {  	_ =	shalt  }
0x87: {  	_ =	shalt  }
.Lfunc_end0:
.L_simem_size_0:
called_computation_lowered:
.L_overlay_start_0:
0x88: {  	s2 =	sld [smem:$0x3FD9]  }
0x89: {  	s3 =	sld [smem:$0x3FFE];
	_ =	sdelay $0x1  }
0x8a: {  	s1 =	srdreg.scid  }
0x8b: {  	s0 =	sand.u32 $0x1, s1  }
0x8c: {  	s17 =	sshll.u32 s0, $0xA;
	s2 =	sadd.s32 s3, s2  }
0x8d: {  	s2 =	sadd.s32 s2, s17  }
0x8e: {  	[smem:$0x3FC2] =	sst s2  }
0x8f: {  	_ = 	snop  }
0x90: {  	s2 =	sld [smem:$0x3FD0];
	(tm) =	ssettm $0x1  }
0x91: {  	s18 =	sld [smem:$0x3FFB];
	_ =	sdelay $0x3  }
0x92: {  	_ =	strace s18  }
0x93: {  	s3 =	sld [smem:$0x3FFC];
	_ =	sdelay $0x3  }
0x94: {  	_ =	strace s3  }
0x95: {  	s3 =	sld [smem:$0x3FFD];
	_ =	sdelay $0x3  }
0x96: {  	_ =	strace s3  }
0x97: {  	_ =	strace $0x8FFFFFFF  }
0x98: {  	s19 =	sld [smem:$0x3FDB];
	_ =	sdelay $0x1  }
0x99: {  	s4 =	simm.s32 $_scs_section_size  }
0x9a: {  	s5 =	simm.s32 $_size__tile_overlayer_lowered;
	s6 =	simm.s32 $_tile_overlayer_lowered  }
0x9b: {  	s22 =	simm.s32 $0x1BFF;
	s21 =	sshll.u32 s6, $0x1;
	s3 =	sadd.s32 s4, s19  }
0x9c: {  	s7 =	simm.s32 $0x0;
	s20 =	sshll.u32 s5, $0x1;
	s5 =	sadd.s32 s21, s3  }
0x9d: {  	[timem:s7], [sflag:s22] =	dma.local [hbm:s5], s20  }
0x9e: {  	_ =	swait.ge [sflag:s22], s20  }
0x9f: {  	s4 =	ssub.s32 $0x0, s20;
	[sflag:s22] =	ssyncset.done $0x0  }
0xa0: {  	[sflag:s22] =	ssyncadd.s32 s4;
	_ =	sdelay $0x1  }
0xa1: {  	s23 =	simm.s32 $0x1B8B  }
0xa2: {  	_ =	swait.ge [sflag:s23], $0x1  }
0xa3: {  	[sflag:s23] =	ssyncset.done $0x0  }
0xa4: {  	s25 =	simm.s32 $0x1B8E;
	s24 =	sld [smem:$0x3FFE];
	[sflag:s23] =	ssyncadd.s32 $0xFFFFFFFF  }
0xa5: {  	s26 =	simm.s32 $execute0_lowered;
	[smem:$0x3FD2] =	sst s25  }
0xa6: {  	s5 =	sshll.u32 s26, $0x1;
	_ =	strace $0x80000046;
	[dreg:$0x1] =	wrdreg $0xFFFFFFFF  }
0xa7: {  	s28 =	simm.s32 $_size_execute0_lowered;
	s3 =	sadd.s32 s3, s5;
	[dreg:$0x0] =	wrdreg $0x0  }
0xa8: {  	s5 =	sshll.u32 s28, $0x1;
	[dreg:$0x2] =	wrdreg s3  }
0xa9: {  	[dreg:$0x3] =	wrdreg s5  }
0xaa: {  	[dreg:$0x4] =	wrdreg $0xC0  }
0xab: {  	_ =	task [dreg:s7], $0x5FFFF  }
0xac: {  	[dreg:$0x1] =	wrdreg $0xFFFFFFFF  }
0xad: {  	[dreg:$0x0] =	wrdreg $0x60  }
0xae: {  	[dreg:$0x2] =	wrdreg s2  }
0xaf: {  	[dreg:$0x3] =	wrdreg s24  }
0xb0: {  	[dreg:$0x4] =	wrdreg $0xB6800  }
0xb1: {  	[dreg:$0x5] =	wrdreg $0x9  }
0xb2: {  	_ =	task.clear_ibuf [dreg:s7], $0x6FFFF;
	_ =	strace $0x90000046  }
0xb3: {  	s29 =	simm.s32 $0x9;
	_ =	strace $0x80000048  }
0xb4: {  	_ =	swait.ge [sflag:s29], $0x1  }
0xb5: {  	[sflag:s29] =	ssyncadd.s32 $0xFFFFFFFF  }
0xb6: {  	_ =	strace $0x90000048  }
0xb7: {  	_ =	sfence  }
0xb8: {  	s30 =	sld [smem:$0x0];
	_ =	sdelay $0x2  }
0xb9: {  	s31 =	sshll.u32 s1, $0xD;
	s1 =	sshrl.u32 s1, $0x2  }
0xba: {  	s3 =	sand.u32 $0x4000, s31;
	s1 =	sadd.s32 s1, s30  }
0xbb: {  	s0 =	sor.u32 s3, s0;
	s1 =	sshll.u32 s1, $0x11  }
0xbc: {  	s0 =	sor.u32 s1, s0  }
0xbd: {  	s0 =	sadd.s32 $0x8F2B, s0  }
0xbe: {  	[sflag:s0] =	ssyncadd.remote.s32 $0x1  }
0xbf: {  	_ =	sfence.sel $0xFFFF  }
0xc0: {  	[dreg:$0x0] =	wrdreg $0xFFFFFFFF;
	(pc) =	sbr.abs _section_cstart, $3  }
0xc1: {  	[dreg:$0x1] =	wrdreg $0xFFFFFFFF  }
0xc2: {  	_ =	task.clear_ibuf [dreg:s7], $0x2FFFF;
	_ =	strace $0x9FFFFFFF  }
0xc3: {  	(tm) =	ssettm $0x7FFFFFFF  }
tec
execute0_lowered:
.L_overlay_start_1:
0x0: {  	(tag) =	ssettag $0x1  }
0x1: {  	s1 =	rddreg [dreg:$0x0]  }
0x2: {  	s0 =	rddreg [dreg:$0x1]  }
0x3: {  	s3 =	rddreg [dreg:$0x2];
	s11 =	simm.s32 $0x0  }
0x4: {  	s2 =	srdreg.scid;
	s10 =	stileid.u32;
	s14 =	simm.s32 $0x5  }
0x5: {  	s15 =	simm.s32 $0x1F40;
	s16 =	simm.s32 $0x50;
	s17 =	simm.s32 $0x3E80  }
0x6: {  	s18 =	simm.s32 $0x5280;
	s19 =	simm.s32 $0x1;
	s21 =	simm.s32 $0x6680  }
0x7: {  	s23 =	simm.s32 $0x2;
	s24 =	simm.s32 $0xFF0;
	[smem:$0x7FF] =	sst s11  }
0x8: {  	s2 =	sand.u32 $0x1, s2;
	s4 =	smul.u32 $0x2780, s10;
	s5 =	sadd.s32 $0x800, s0  }
0x9: {  	s6 =	sadd.s32 $0x27A00, s0;
	s9 =	smul.u32 $0x4F000, s10;
	s12 =	sadd.s32 $0x3B400, s0  }
0xa: {  	s30 =	sshll.u32 s10, $0x6;
	_ =	strace $0x80000047;
	s7 =	smul.u32 $0x27800, s2  }
0xb: {  	s8 =	ssub.s32 $0x2, s2;
	[dreg:$0x5] =	wrdreg s12;
	s2 =	sshll.u32 s2, $0x4  }
0xc: {  	s25 =	sshrl.u32 s8, $0x1;
	s29 =	sshrl.u32 s9, $0x2;
	s9 =	smul.u32 $0x5, s10  }
0xd: {  	s2 =	sor.u32 s10, s2;
	s4 =	sadd.s32 s4, s7;
	s26 =	ssub.s32 s8, s25  }
.Ltmp0:
0xe: {  	s7 =	sadd.s32 s29, s3;
	s8 =	sor.u32 $0x1C05, s30;
	(pc) =	sbr.rel .LBB2_1-.Ltmp0, $4  }
0xf: {  	s10 =	smul.u32 $0x5, s2;
	s31 =	smax.u32 s26, $0x1;
	[dreg:$0x6] =	wrdreg s8  }
0x10: {  	s0 =	sadd.s32 s4, s0;
	s2 =	sshrl.u32 s7, $0x3;
	[dreg:$0x8] =	wrdreg s31  }
0x11: {  	s28 =	simm.s32 $0x4;
	s0 =	sadd.s32 $0x3DC00, s0;
	[dreg:$0x9] =	wrdreg s2  }
0x12: {  	s25 =	simm.s32 $0x8E80;
	s26 =	simm.s32 $0x3;
	[dreg:$0x7] =	wrdreg s0  }
.LBB2_21:
0x13: {  	[bflag:$0x0] =	sbarrier.arrive $0xFFFF  }
0x14: {  	s8 =	rddreg [dreg:$0x6]  }
0x15: {  	s0 =	rddreg [dreg:$0x7]  }
0x16: {  	s2 =	rddreg [dreg:$0x9]  }
0x17: {  	[hbm:s0], [sflag:s8] =	dma.local [spmem:s2], $0x2780  }
0x18: {  	_ =	swait.ge [sflag:s14], $0x2780  }
0x19: {  	s11 =	rddreg [dreg:$0x4]  }
0x1a: {  	s31 =	rddreg [dreg:$0x8];
	s11 =	sadd.s32 $0x1, s11  }
0x1b: {  	p0 =	sne.s32 s11, s31  }
.Ltmp1:
0x1c: {  	_ = 	snop;
	(pc) =	sbr.rel @!p0 .LBB2_22-.Ltmp1, $3  }
0x1d: {  	_ =	sdelay $0x1  }
0x1e: {  	[sflag:s14] =	ssyncset.done $0x0  }
0x1f: {  	[sflag:s14] =	ssyncadd.s32 $0xFFFFD880  }
.LBB2_1:
0x20: {  	[dreg:$0x4] =	wrdreg s11  }
0x21: {  	s0 =	rddreg [dreg:$0x5]  }
0x22: {  	[spmem:s2], [sflag:s8] =	dma.local [hbm:s0], $0x2780  }
.Ltmp2:
0x23: {  	_ =	swait.ge [sflag:s14], $0x2780;
	(pc) =	sbr.rel .LBB2_2-.Ltmp2, $4  }
0x24: {  	[sflag:s14] =	ssyncset.done $0x0  }
0x25: {  	[sflag:s14] =	ssyncadd.s32 $0xFFFFD880  }
0x26: {  	[bflag:$0x0] =	sbarrier.arrive $0xFFFF  }
0x27: {  	s29 =	simm.s32 $0x0  }
.LBB2_20:
0x28: {  	s29 =	sadd.s32 $0x1, s29  }
0x29: {  	_ =	swait.ge [sflag:s26], $0x2800;
	p0 =	sne.s32 s29, $0x5  }
.Ltmp3:
0x2a: {  	[sflag:s26] =	ssyncset.done $0x0;
	(pc) =	sbr.rel @!p0 .LBB2_21-.Ltmp3, $4  }
0x2b: {  	[sflag:s26] =	ssyncadd.s32 $0xFFFFD800  }
0x2c: {  	_ =	swait.ge [sflag:s28], $0x2800  }
0x2d: {  	[sflag:s28] =	ssyncset.done $0x0  }
0x2e: {  	[sflag:s28] =	ssyncadd.s32 $0xFFFFD800  }
.LBB2_2:
0x2f: {  	s0 =	sadd.s32 s10, s29  }
0x30: {  	s0 =	smul.u32 $0x3E8, s0;
	_ =	sdelay $0x1  }
0x31: {  	s2 =	sadd.s32 s9, s29;
	s4 =	simm.s32 $0x0;
	s0 =	sadd.s32 s5, s0  }
0x32: {  	[tilespmem:s4], [sflag:$0x5] =	stream.linear.gather [hbm4b:s0+s4], $0x1F40, $0x38;
	[tilespmem:$0x1F280] =	vst v63  }
0x33: {  	s22 =	smul.u32 $0x3E8, s2;
	_ =	swait.ge [sflag:s14], $0x1F40  }
0x34: {  	[sflag:s14] =	ssyncset.done $0x0  }
0x35: {  	s0 =	sadd.s32 s6, s22;
	[sflag:s14] =	ssyncadd.s32 $0xFFFFE0C0  }
0x36: {  	[tilespmem:s15], [sflag:$0x5] =	stream.linear.gather [hbm4b:s0+s4], $0x1F40, $0x38;
	[tilespmem:$0x1F280] =	vst v63  }
0x37: {  	_ =	swait.ge [sflag:s14], $0x1F40  }
0x38: {  	[sflag:s14] =	ssyncset.done $0x0  }
0x39: {  	[sflag:s14] =	ssyncadd.s32 $0xFFFFE0C0  }
0x3a: {  	[tilespmem:s17], [sflag:$0x1] =	stream.indirect.gather [hbm4b:s1+s16], $0x40, s4, s16, $0xb8;
	[tilespmem:$0x1F280] =	vst v63  }
0x3b: {  	s30 =	simm.s32 $0xFA0  }
0x3c: {  	v0 =	vmov s4;
	[tilespmem:s18], [sflag:$0x2] =	stream.indirect.gather [hbm4b:s1+s16], $0x40, s16, s16, $0xb8;
	[tilespmem:$0x1F280] =	vst v63  }
0x3d: {  	v2 =	vmov s30;
	_ =	swait.ge [sflag:s19], $0x1400  }
0x3e: {  	[sflag:s19] =	ssyncset.done $0x0  }
0x3f: {  	s31 =	simm.s32 $0x3EA0;
	[sflag:s19] =	ssyncadd.s32 $0xFFFFEC00  }
0x40: {  	v3 =	vld [tilespmem:s31+$0xFFFFFFE0]  }
0x41: {  	v1 =	vld.idx.msk [tilespmem:v0+s15+$0x0], $0xffff  }
0x42: {  	v2 =	vld.idx.msk [tilespmem:v2+s15+$0x0], $0xffff;
	_ =	sdelay $0x3  }
0x43: {  	v0 =	vmul.f32 v3, v1  }
0x44: {  	s0 =	simm.s32 $0x66C0;
	v3 =	vmul.f32 v3, v2  }
0x45: {  	[tilespmem:s0+$0xFFFFFFC0] =	vst v0  }
0x46: {  	[tilespmem:s0+$0x0] =	vst v3  }
0x47: {  	v0 =	vld [tilespmem:s31+$0xFFFFFFF0];
	_ =	sdelay $0x4  }
0x48: {  	v3 =	vmul.f32 v0, v1  }
0x49: {  	v0 =	vmul.f32 v0, v2  }
0x4a: {  	[tilespmem:s0+$0xFFFFFFD0] =	vst v3  }
0x4b: {  	[tilespmem:s0+$0x10] =	vst v0  }
0x4c: {  	v0 =	vld [tilespmem:s31+$0x0];
	_ =	sdelay $0x4  }
0x4d: {  	v3 =	vmul.f32 v0, v1  }
0x4e: {  	v0 =	vmul.f32 v0, v2  }
0x4f: {  	[tilespmem:s0+$0xFFFFFFE0] =	vst v3  }
0x50: {  	[tilespmem:s0+$0x20] =	vst v0  }
0x51: {  	v3 =	vld [tilespmem:s31+$0x10];
	_ =	sdelay $0x1  }
0x52: {  	s8 =	simm.s32 $0x1  }
0x53: {  	s11 =	simm.s32 $0x2;
	s7 =	simm.s32 $0x66C0;
	s2 =	simm.s32 $0x3EE0;
	v0 =	vmov s8  }
.LBB2_3:
0x54: {  	s12 =	sadd.s32 $0xFA0, s8  }
0x55: {  	v4 =	vmov s11;
	v1 =	vmul.f32 v3, v1;
	v2 =	vmul.f32 v3, v2;
	s0 =	sadd.s32 $0x80, s0;
	s8 =	smov.u32 s11;
	s4 =	sadd.s32 $0x1, s11  }
0x56: {  	p0 =	sne.s32 s11, $0x4F;
	v3 =	vmov s12  }
0x57: {  	[tilespmem:s7+$0xFFFFFFF0] =	vst v1  }
0x58: {  	[tilespmem:s7+$0x30] =	vst v2;
	s7 =	smov.u32 s0  }
0x59: {  	v5 =	vld [tilespmem:s2+$0xFFFFFFE0]  }
0x5a: {  	v1 =	vld.idx.msk [tilespmem:v0+s15+$0x0], $0xffff;
	v0 =	vmov v4  }
0x5b: {  	v2 =	vld.idx.msk [tilespmem:v3+s15+$0x0], $0xffff;
	_ =	sdelay $0x4  }
0x5c: {  	v3 =	vmul.f32 v5, v1  }
0x5d: {  	v4 =	vmul.f32 v5, v2  }
0x5e: {  	[tilespmem:s0+$0xFFFFFFC0] =	vst v3  }
0x5f: {  	[tilespmem:s0+$0x0] =	vst v4  }
0x60: {  	v3 =	vld [tilespmem:s2+$0xFFFFFFF0];
	_ =	sdelay $0x4  }
0x61: {  	v4 =	vmul.f32 v3, v1;
	v3 =	vmul.f32 v3, v2;
	_ =	sdelay $0x1  }
0x62: {  	[tilespmem:s0+$0xFFFFFFD0] =	vst v4  }
0x63: {  	[tilespmem:s0+$0x10] =	vst v3  }
0x64: {  	v3 =	vld [tilespmem:s2+$0x0];
	_ =	sdelay $0x4  }
0x65: {  	v4 =	vmul.f32 v3, v1;
	v3 =	vmul.f32 v3, v2;
	_ =	sdelay $0x1  }
0x66: {  	[tilespmem:s0+$0xFFFFFFE0] =	vst v4  }
0x67: {  	[tilespmem:s0+$0x20] =	vst v3  }
.Ltmp4:
0x68: {  	v3 =	vld [tilespmem:s2+$0x10];
	(pc) =	sbr.rel @p0 .LBB2_3-.Ltmp4, $2  }
0x69: {  	_ =	sdelay $0x2  }
0x6a: {  	s11 =	smov.u32 s4;
	s2 =	sadd.s32 $0x40, s2  }
0x6b: {  	s4 =	sadd.s32 $0xFA0, s8;
	v1 =	vmul.f32 v3, v1  }
0x6c: {  	v2 =	vmul.f32 v3, v2;
	v3 =	vmov s4  }
0x6d: {  	[tilespmem:s7+$0xFFFFFFF0] =	vst v1  }
0x6e: {  	[tilespmem:s7+$0x30] =	vst v2  }
0x6f: {  	v1 =	vld [tilespmem:s2+$0xFFFFFFE0]  }
0x70: {  	v0 =	vld.idx.msk [tilespmem:v0+s15+$0x0], $0xffff  }
0x71: {  	v2 =	vld.idx.msk [tilespmem:v3+s15+$0x0], $0xffff;
	_ =	sdelay $0x3  }
0x72: {  	v3 =	vmul.f32 v1, v0  }
0x73: {  	s0 =	sadd.s32 $0x80, s0;
	v1 =	vmul.f32 v1, v2  }
0x74: {  	[tilespmem:s0+$0xFFFFFFC0] =	vst v3  }
0x75: {  	[tilespmem:s0+$0x0] =	vst v1  }
0x76: {  	v1 =	vld [tilespmem:s2+$0xFFFFFFF0];
	_ =	sdelay $0x4  }
0x77: {  	v3 =	vmul.f32 v1, v0  }
0x78: {  	v1 =	vmul.f32 v1, v2  }
0x79: {  	[tilespmem:s0+$0xFFFFFFD0] =	vst v3  }
0x7a: {  	[tilespmem:s0+$0x10] =	vst v1  }
0x7b: {  	v1 =	vld [tilespmem:s2+$0x0];
	_ =	sdelay $0x4  }
0x7c: {  	v3 =	vmul.f32 v1, v0  }
0x7d: {  	v1 =	vmul.f32 v1, v2  }
0x7e: {  	[tilespmem:s0+$0xFFFFFFE0] =	vst v3  }
0x7f: {  	[tilespmem:s0+$0x20] =	vst v1  }
0x80: {  	v1 =	vld [tilespmem:s2+$0x10];
	_ =	sdelay $0x4  }
0x81: {  	v0 =	vmul.f32 v1, v0  }
0x82: {  	v1 =	vmul.f32 v1, v2  }
0x83: {  	[tilespmem:s0+$0xFFFFFFF0] =	vst v0  }
0x84: {  	s13 =	simm.s32 $0xFA0;
	[tilespmem:s0+$0x30] =	vst v1  }
0x85: {  	[spmem:s3] =	stream.indirect.scatter.add.f32 [tilespmem:s21], [sflag:$0x3], $0x80, s13, s16, $0xb8;
	[tilespmem:$0x1F280] =	vst v63  }
0x86: {  	s20 =	simm.s32 $0xA0;
	s22 =	simm.s32 $0xFF0;
	s30 =	simm.s32 $0x50  }
0x87: {  	v0 =	vmov s22;
	[tilespmem:s17], [sflag:$0x1] =	stream.indirect.gather [hbm4b:s1+s16], $0x40, s20, s16, $0xb8;
	[tilespmem:$0x1F280] =	vst v63  }
0x88: {  	v2 =	vmov s30;
	_ =	swait.ge [sflag:s23], $0x1400  }
0x89: {  	[sflag:s23] =	ssyncset.done $0x0  }
0x8a: {  	s31 =	simm.s32 $0x52A0;
	[sflag:s23] =	ssyncadd.s32 $0xFFFFEC00  }
0x8b: {  	v3 =	vld [tilespmem:s31+$0xFFFFFFE0]  }
0x8c: {  	v1 =	vld.idx.msk [tilespmem:v0+s15+$0x0], $0xffff  }
0x8d: {  	v2 =	vld.idx.msk [tilespmem:v2+s15+$0x0], $0xffff;
	_ =	sdelay $0x3  }
0x8e: {  	v0 =	vmul.f32 v3, v1  }
0x8f: {  	s0 =	simm.s32 $0x8EC0;
	v3 =	vmul.f32 v3, v2  }
0x90: {  	[tilespmem:s0+$0x0] =	vst v0  }
0x91: {  	[tilespmem:s0+$0xFFFFFFC0] =	vst v3  }
0x92: {  	v0 =	vld [tilespmem:s31+$0xFFFFFFF0];
	_ =	sdelay $0x4  }
0x93: {  	v3 =	vmul.f32 v0, v2  }
0x94: {  	v0 =	vmul.f32 v0, v1  }
0x95: {  	[tilespmem:s0+$0xFFFFFFD0] =	vst v3  }
0x96: {  	[tilespmem:s0+$0x10] =	vst v0  }
0x97: {  	v0 =	vld [tilespmem:s31+$0x0];
	_ =	sdelay $0x4  }
0x98: {  	v3 =	vmul.f32 v0, v2  }
0x99: {  	v0 =	vmul.f32 v0, v1  }
0x9a: {  	[tilespmem:s0+$0xFFFFFFE0] =	vst v3  }
0x9b: {  	[tilespmem:s0+$0x20] =	vst v0  }
0x9c: {  	v3 =	vld [tilespmem:s31+$0x10];
	_ =	sdelay $0x1  }
0x9d: {  	s8 =	simm.s32 $0xFF1  }
0x9e: {  	s11 =	simm.s32 $0xFF2;
	s7 =	simm.s32 $0x8EC0;
	s2 =	simm.s32 $0x52E0;
	v0 =	vmov s8  }
.LBB2_5:
0x9f: {  	s12 =	sadd.s32 $0xFFFFF060, s8  }
0xa0: {  	v4 =	vmov s11;
	v2 =	vmul.f32 v3, v2;
	v1 =	vmul.f32 v3, v1;
	s0 =	sadd.s32 $0x80, s0;
	s8 =	smov.u32 s11;
	s4 =	sadd.s32 $0x1, s11  }
0xa1: {  	p0 =	sne.s32 s11, $0x103F;
	v3 =	vmov s12  }
0xa2: {  	[tilespmem:s7+$0xFFFFFFF0] =	vst v2  }
0xa3: {  	[tilespmem:s7+$0x30] =	vst v1;
	s7 =	smov.u32 s0  }
0xa4: {  	v5 =	vld [tilespmem:s2+$0xFFFFFFE0]  }
0xa5: {  	v1 =	vld.idx.msk [tilespmem:v0+s15+$0x0], $0xffff;
	v0 =	vmov v4  }
0xa6: {  	v2 =	vld.idx.msk [tilespmem:v3+s15+$0x0], $0xffff;
	_ =	sdelay $0x4  }
0xa7: {  	v3 =	vmul.f32 v5, v1  }
0xa8: {  	v4 =	vmul.f32 v5, v2  }
0xa9: {  	[tilespmem:s0+$0x0] =	vst v3  }
0xaa: {  	[tilespmem:s0+$0xFFFFFFC0] =	vst v4  }
0xab: {  	v3 =	vld [tilespmem:s2+$0xFFFFFFF0];
	_ =	sdelay $0x4  }
0xac: {  	v4 =	vmul.f32 v3, v2;
	v3 =	vmul.f32 v3, v1;
	_ =	sdelay $0x1  }
0xad: {  	[tilespmem:s0+$0xFFFFFFD0] =	vst v4  }
0xae: {  	[tilespmem:s0+$0x10] =	vst v3  }
0xaf: {  	v3 =	vld [tilespmem:s2+$0x0];
	_ =	sdelay $0x4  }
0xb0: {  	v4 =	vmul.f32 v3, v2;
	v3 =	vmul.f32 v3, v1;
	_ =	sdelay $0x1  }
0xb1: {  	[tilespmem:s0+$0xFFFFFFE0] =	vst v4  }
0xb2: {  	[tilespmem:s0+$0x20] =	vst v3  }
.Ltmp5:
0xb3: {  	v3 =	vld [tilespmem:s2+$0x10];
	(pc) =	sbr.rel @p0 .LBB2_5-.Ltmp5, $2  }
0xb4: {  	_ =	sdelay $0x2  }
0xb5: {  	s11 =	smov.u32 s4;
	s2 =	sadd.s32 $0x40, s2  }
0xb6: {  	s4 =	sadd.s32 $0xFFFFF060, s8;
	v2 =	vmul.f32 v3, v2  }
0xb7: {  	v1 =	vmul.f32 v3, v1;
	v60 =	vmov s4  }
0xb8: {  	[tilespmem:s7+$0xFFFFFFF0] =	vst v2  }
0xb9: {  	[tilespmem:s7+$0x30] =	vst v1  }
0xba: {  	v1 =	vld [tilespmem:s2+$0xFFFFFFE0]  }
0xbb: {  	v0 =	vld.idx.msk [tilespmem:v0+s15+$0x0], $0xffff  }
0xbc: {  	v2 =	vld.idx.msk [tilespmem:v60+s15+$0x0], $0xffff;
	_ =	sdelay $0x3  }
0xbd: {  	v61 =	vmul.f32 v1, v0  }
0xbe: {  	s0 =	sadd.s32 $0x80, s0;
	v1 =	vmul.f32 v1, v2  }
0xbf: {  	[tilespmem:s0+$0x0] =	vst v61  }
0xc0: {  	[tilespmem:s0+$0xFFFFFFC0] =	vst v1  }
0xc1: {  	v1 =	vld [tilespmem:s2+$0xFFFFFFF0];
	_ =	sdelay $0x4  }
0xc2: {  	v62 =	vmul.f32 v1, v2  }
0xc3: {  	v1 =	vmul.f32 v1, v0  }
0xc4: {  	[tilespmem:s0+$0xFFFFFFD0] =	vst v62  }
0xc5: {  	[tilespmem:s0+$0x10] =	vst v1  }
0xc6: {  	v1 =	vld [tilespmem:s2+$0x0];
	_ =	sdelay $0x4  }
0xc7: {  	v63 =	vmul.f32 v1, v2  }
0xc8: {  	v1 =	vmul.f32 v1, v0  }
0xc9: {  	[tilespmem:s0+$0xFFFFFFE0] =	vst v63  }
0xca: {  	[tilespmem:s0+$0x20] =	vst v1  }
0xcb: {  	v1 =	vld [tilespmem:s2+$0x10];
	_ =	sdelay $0x4  }
0xcc: {  	v2 =	vmul.f32 v1, v2  }
0xcd: {  	v0 =	vmul.f32 v1, v0  }
0xce: {  	[tilespmem:s0+$0xFFFFFFF0] =	vst v2  }
0xcf: {  	s30 =	simm.s32 $0x0;
	s31 =	simm.s32 $0x0;
	[tilespmem:s0+$0x30] =	vst v0  }
0xd0: {  	[spmem:s3] =	stream.indirect.scatter.add.f32 [tilespmem:s25], [sflag:$0x4], $0x80, s24, s16, $0xb8;
	[tilespmem:$0x1F280] =	vst v63  }
.LBB2_7:
0xd1: {  	s2 =	smul.u32 $0xA0, s31;
	_ =	sdelay $0x1  }
0xd2: {  	s0 =	sadd.s32 $0xF0, s2  }
0xd3: {  	[tilespmem:s18], [sflag:$0x2] =	stream.indirect.gather [hbm4b:s1+s16], $0x40, s0, s16, $0xb8;
	[tilespmem:$0x1F280] =	vst v63  }
0xd4: {  	p1 =	por $0x0, $0x0;
	_ =	swait.ge [sflag:s26], $0x2800  }
.Ltmp6:
0xd5: {  	[sflag:s26] =	ssyncset.done $0x0;
	(pc) =	sbr.rel @p1 .LBB2_8-.Ltmp6, $4  }
0xd6: {  	[sflag:s26] =	ssyncadd.s32 $0xFFFFD800  }
0xd7: {  	s13 =	simm.s32 $0x66C0;
	_ =	swait.ge [sflag:s19], $0x1400  }
0xd8: {  	s12 =	simm.s32 $0x3EA0;
	p0 =	por $0x0, $0x0;
	[sflag:s19] =	ssyncset.done $0x0  }
0xd9: {  	s7 =	sadd.s32 $0x1040, s2;
	s0 =	sadd.s32 $0xFFFFFFB0, s30;
	[sflag:s19] =	ssyncadd.s32 $0xFFFFEC00  }
0xda: {  	s4 =	sadd.s32 $0xF0, s0  }
0xdb: {  	s8 =	sadd.s32 $0x1090, s0;
	v0 =	vmov s4  }
0xdc: {  	v1 =	vmov s8;
	_ =	sdelay $0x2  }
0xdd: {  	v2 =	vld [tilespmem:s12+$0xFFFFFFE0]  }
0xde: {  	v0 =	vld.idx.msk [tilespmem:v0+s15+$0x0], $0xffff  }
0xdf: {  	v1 =	vld.idx.msk [tilespmem:v1+s15+$0x0], $0xffff;
	_ =	sdelay $0x3  }
0xe0: {  	v3 =	vmul.f32 v2, v0  }
0xe1: {  	v2 =	vmul.f32 v2, v1  }
0xe2: {  	[tilespmem:s13+$0xFFFFFFC0] =	vst v3  }
0xe3: {  	[tilespmem:s13+$0x0] =	vst v2  }
0xe4: {  	v2 =	vld [tilespmem:s12+$0xFFFFFFF0];
	_ =	sdelay $0x4  }
0xe5: {  	v3 =	vmul.f32 v2, v0  }
0xe6: {  	v2 =	vmul.f32 v2, v1  }
0xe7: {  	[tilespmem:s13+$0xFFFFFFD0] =	vst v3  }
0xe8: {  	[tilespmem:s13+$0x10] =	vst v2  }
0xe9: {  	v2 =	vld [tilespmem:s12+$0x0];
	_ =	sdelay $0x4  }
0xea: {  	v3 =	vmul.f32 v2, v0  }
0xeb: {  	p3 =	por $0x0, $0x0;
	v2 =	vmul.f32 v2, v1  }
.Ltmp7:
0xec: {  	[tilespmem:s13+$0xFFFFFFE0] =	vst v3;
	(pc) =	sbr.rel @p3 .LBB2_10-.Ltmp7, $4  }
0xed: {  	[tilespmem:s13+$0x20] =	vst v2  }
0xee: {  	v2 =	vld [tilespmem:s12+$0x10]  }
0xef: {  	s11 =	simm.s32 $0x6740;
	p2 =	por $0x1, $0x1  }
0xf0: {  	s8 =	simm.s32 $0xFFFFFFB2;
	s4 =	sadd.s32 $0xFFFFFFB1, s30;
	s12 =	simm.s32 $0x3EE0  }
.LBB2_11:
0xf1: {  	s20 =	sadd.s32 $0xF0, s4  }
0xf2: {  	s22 =	sadd.s32 $0x1090, s4;
	s4 =	smov.u32 s8;
	s8 =	sadd.s32 $0x1, s8  }
0xf3: {  	p3 =	seq.s32 s8, $0x0;
	v3 =	vmov s20;
	v4 =	vmov s22;
	v0 =	vmul.f32 v2, v0  }
0xf4: {  	v1 =	vmul.f32 v2, v1  }
0xf5: {  	[tilespmem:s13+$0xFFFFFFF0] =	vst v0  }
0xf6: {  	[tilespmem:s13+$0x30] =	vst v1;
	s13 =	smov.u32 s11  }
0xf7: {  	v2 =	vld [tilespmem:s12+$0xFFFFFFE0]  }
0xf8: {  	v0 =	vld.idx.msk [tilespmem:v3+s15+$0x0], $0xffff  }
0xf9: {  	v1 =	vld.idx.msk [tilespmem:v4+s15+$0x0], $0xffff;
	_ =	sdelay $0x4  }
0xfa: {  	v3 =	vmul.f32 v2, v0  }
0xfb: {  	v2 =	vmul.f32 v2, v1  }
0xfc: {  	[tilespmem:s11+$0xFFFFFFC0] =	vst v3  }
0xfd: {  	[tilespmem:s11+$0x0] =	vst v2  }
0xfe: {  	v2 =	vld [tilespmem:s12+$0xFFFFFFF0];
	_ =	sdelay $0x4  }
0xff: {  	v3 =	vmul.f32 v2, v0;
	v2 =	vmul.f32 v2, v1;
	_ =	sdelay $0x1  }
0x100: {  	[tilespmem:s11+$0xFFFFFFD0] =	vst v3  }
0x101: {  	[tilespmem:s11+$0x10] =	vst v2  }
0x102: {  	v2 =	vld [tilespmem:s12+$0x0];
	_ =	sdelay $0x4  }
0x103: {  	v3 =	vmul.f32 v2, v0;
	v2 =	vmul.f32 v2, v1;
	_ =	sdelay $0x1  }
0x104: {  	[tilespmem:s11+$0xFFFFFFE0] =	vst v3  }
.Ltmp8:
0x105: {  	[tilespmem:s11+$0x20] =	vst v2;
	(pc) =	sbr.rel @!p3 .LBB2_11-.Ltmp8, $2  }
0x106: {  	v2 =	vld [tilespmem:s12+$0x10];
	_ =	sdelay $0x2  }
0x107: {  	s4 =	sadd.s32 s4, s30;
	s11 =	sadd.s32 $0x80, s11;
	s12 =	sadd.s32 $0x40, s12  }
0x108: {  	s8 =	smov.u32 s13;
	s13 =	smov.u32 s11  }
.LBB2_13:
0x109: {  	s11 =	sadd.s32 $0xF0, s4  }
0x10a: {  	s22 =	sadd.s32 $0x1090, s4;
	v0 =	vmul.f32 @p2 v2, v0;
	v3 =	vmov s11  }
0x10b: {  	v1 =	vmul.f32 @p2 v2, v1;
	v4 =	vmov s22  }
0x10c: {  	[tilespmem:s8+$0xFFFFFFF0] =	vst @p2 v0  }
0x10d: {  	[tilespmem:s8+$0x30] =	vst @p2 v1  }
0x10e: {  	v0 =	vld [tilespmem:s12+$0xFFFFFFE0]  }
0x10f: {  	v1 =	vld.idx.msk [tilespmem:v3+s15+$0x0], $0xffff  }
0x110: {  	v61 =	vld.idx.msk [tilespmem:v4+s15+$0x0], $0xffff;
	_ =	sdelay $0x3  }
0x111: {  	v3 =	vmul.f32 v0, v1  }
0x112: {  	v0 =	vmul.f32 v0, v61  }
0x113: {  	[tilespmem:s13+$0xFFFFFFC0] =	vst v3  }
0x114: {  	[tilespmem:s13+$0x0] =	vst v0  }
0x115: {  	v0 =	vld [tilespmem:s12+$0xFFFFFFF0];
	_ =	sdelay $0x4  }
0x116: {  	v62 =	vmul.f32 v0, v1  }
0x117: {  	v0 =	vmul.f32 v0, v61  }
0x118: {  	[tilespmem:s13+$0xFFFFFFD0] =	vst v62  }
0x119: {  	[tilespmem:s13+$0x10] =	vst v0  }
0x11a: {  	v0 =	vld [tilespmem:s12+$0x0];
	_ =	sdelay $0x4  }
0x11b: {  	v63 =	vmul.f32 v0, v1  }
0x11c: {  	v0 =	vmul.f32 v0, v61  }
0x11d: {  	[tilespmem:s13+$0xFFFFFFE0] =	vst v63  }
0x11e: {  	[tilespmem:s13+$0x20] =	vst v0  }
0x11f: {  	v0 =	vld [tilespmem:s12+$0x10];
	_ =	sdelay $0x4  }
0x120: {  	p2 =	seq.s32 s31, $0x17;
	v1 =	vmul.f32 v0, v1  }
0x121: {  	s4 =	smul.u32 @!p2 $0x280, s31;
	v0 =	vmul.f32 v0, v61  }
0x122: {  	[tilespmem:s13+$0xFFFFFFF0] =	vst v1  }
0x123: {  	s4 =	sshra.s32 @!p2 s4, $0x2;
	[tilespmem:s13+$0x30] =	vst v0  }
0x124: {  	[spmem:s3] =	stream.indirect.scatter.add.f32 [tilespmem:s21], [sflag:$0x3], $0x80, s7, s16, $0xb8;
	[tilespmem:$0x1F280] =	vst v63  }
0x125: {  	s8 =	simm.s32 @!p2 $0x3E80;
	s4 =	sadd.s32 @!p2 $0x140, s4;
	s7 =	simm.s32 @!p2 $0x50  }
0x126: {  	[tilespmem:s8], [sflag:$0x1] =	stream.indirect.gather @!p2 [hbm4b:s1+s7], $0x40, s4, s7, $0xb8;
	[tilespmem:$0x1F280] =	vst v63  }
0x127: {  	_ =	swait.ge [sflag:s28], $0x2800  }
.Ltmp9:
0x128: {  	[sflag:s28] =	ssyncset.done $0x0;
	(pc) =	sbr.rel @p1 .LBB2_14-.Ltmp9, $4  }
0x129: {  	[sflag:s28] =	ssyncadd.s32 $0xFFFFD800  }
0x12a: {  	_ =	swait.ge [sflag:s23], $0x1400  }
0x12b: {  	s2 =	sadd.s32 $0x1090, s2;
	[sflag:s23] =	ssyncset.done $0x0  }
0x12c: {  	s11 =	simm.s32 $0x52A0;
	s7 =	simm.s32 $0x8EC0;
	[sflag:s23] =	ssyncadd.s32 $0xFFFFEC00  }
0x12d: {  	s4 =	sadd.s32 $0x140, s0  }
0x12e: {  	s22 =	sadd.s32 $0x10E0, s0;
	v0 =	vmov s4  }
0x12f: {  	v1 =	vmov s22;
	_ =	sdelay $0x2  }
0x130: {  	v2 =	vld [tilespmem:s11+$0xFFFFFFE0]  }
0x131: {  	v0 =	vld.idx.msk [tilespmem:v0+s15+$0x0], $0xffff  }
0x132: {  	v1 =	vld.idx.msk [tilespmem:v1+s15+$0x0], $0xffff;
	_ =	sdelay $0x3  }
0x133: {  	v3 =	vmul.f32 v2, v0  }
0x134: {  	v2 =	vmul.f32 v2, v1  }
0x135: {  	[tilespmem:s7+$0xFFFFFFC0] =	vst v3  }
0x136: {  	[tilespmem:s7+$0x0] =	vst v2  }
0x137: {  	v2 =	vld [tilespmem:s11+$0xFFFFFFF0];
	_ =	sdelay $0x4  }
0x138: {  	v3 =	vmul.f32 v2, v0  }
0x139: {  	v2 =	vmul.f32 v2, v1  }
0x13a: {  	[tilespmem:s7+$0xFFFFFFD0] =	vst v3  }
0x13b: {  	[tilespmem:s7+$0x10] =	vst v2  }
0x13c: {  	v2 =	vld [tilespmem:s11+$0x0];
	_ =	sdelay $0x4  }
0x13d: {  	v3 =	vmul.f32 v2, v0  }
0x13e: {  	p1 =	por $0x0, $0x0;
	v2 =	vmul.f32 v2, v1  }
.Ltmp10:
0x13f: {  	[tilespmem:s7+$0xFFFFFFE0] =	vst v3;
	(pc) =	sbr.rel @p1 .LBB2_16-.Ltmp10, $4  }
0x140: {  	[tilespmem:s7+$0x20] =	vst v2  }
0x141: {  	v2 =	vld [tilespmem:s11+$0x10]  }
0x142: {  	s8 =	simm.s32 $0xFFFFFFB2;
	s0 =	sadd.s32 $0xFFFFFFB1, s30  }
0x143: {  	s12 =	simm.s32 $0x8F40;
	p0 =	por $0x1, $0x1;
	s11 =	simm.s32 $0x52E0  }
.LBB2_17:
0x144: {  	s4 =	sadd.s32 $0x140, s0  }
0x145: {  	s13 =	sadd.s32 $0x10E0, s0;
	s0 =	smov.u32 s8;
	s8 =	sadd.s32 $0x1, s8  }
0x146: {  	p1 =	seq.s32 s8, $0x0;
	v3 =	vmov s4;
	v4 =	vmov s13;
	v0 =	vmul.f32 v2, v0  }
0x147: {  	v1 =	vmul.f32 v2, v1  }
0x148: {  	[tilespmem:s7+$0xFFFFFFF0] =	vst v0  }
0x149: {  	[tilespmem:s7+$0x30] =	vst v1;
	s7 =	smov.u32 s12  }
0x14a: {  	v2 =	vld [tilespmem:s11+$0xFFFFFFE0]  }
0x14b: {  	v0 =	vld.idx.msk [tilespmem:v3+s15+$0x0], $0xffff  }
0x14c: {  	v1 =	vld.idx.msk [tilespmem:v4+s15+$0x0], $0xffff;
	_ =	sdelay $0x4  }
0x14d: {  	v3 =	vmul.f32 v2, v0  }
0x14e: {  	v2 =	vmul.f32 v2, v1  }
0x14f: {  	[tilespmem:s12+$0xFFFFFFC0] =	vst v3  }
0x150: {  	[tilespmem:s12+$0x0] =	vst v2  }
0x151: {  	v2 =	vld [tilespmem:s11+$0xFFFFFFF0];
	_ =	sdelay $0x4  }
0x152: {  	v3 =	vmul.f32 v2, v0;
	v2 =	vmul.f32 v2, v1;
	_ =	sdelay $0x1  }
0x153: {  	[tilespmem:s12+$0xFFFFFFD0] =	vst v3  }
0x154: {  	[tilespmem:s12+$0x10] =	vst v2  }
0x155: {  	v2 =	vld [tilespmem:s11+$0x0];
	_ =	sdelay $0x4  }
0x156: {  	v3 =	vmul.f32 v2, v0;
	v2 =	vmul.f32 v2, v1;
	_ =	sdelay $0x1  }
0x157: {  	[tilespmem:s12+$0xFFFFFFE0] =	vst v3  }
.Ltmp11:
0x158: {  	[tilespmem:s12+$0x20] =	vst v2;
	(pc) =	sbr.rel @!p1 .LBB2_17-.Ltmp11, $2  }
0x159: {  	v2 =	vld [tilespmem:s11+$0x10];
	_ =	sdelay $0x2  }
0x15a: {  	s0 =	sadd.s32 s0, s30;
	s12 =	sadd.s32 $0x80, s12;
	s11 =	sadd.s32 $0x40, s11  }
0x15b: {  	s4 =	smov.u32 s7;
	s7 =	smov.u32 s12  }
.LBB2_19:
0x15c: {  	s8 =	sadd.s32 $0x140, s0  }
0x15d: {  	s22 =	sadd.s32 $0x10E0, s0;
	v0 =	vmul.f32 @p0 v2, v0;
	v3 =	vmov s8  }
0x15e: {  	v1 =	vmul.f32 @p0 v2, v1;
	v4 =	vmov s22  }
0x15f: {  	[tilespmem:s4+$0xFFFFFFF0] =	vst @p0 v0  }
0x160: {  	[tilespmem:s4+$0x30] =	vst @p0 v1  }
0x161: {  	v0 =	vld [tilespmem:s11+$0xFFFFFFE0]  }
0x162: {  	v1 =	vld.idx.msk [tilespmem:v3+s15+$0x0], $0xffff  }
0x163: {  	v61 =	vld.idx.msk [tilespmem:v4+s15+$0x0], $0xffff;
	_ =	sdelay $0x3  }
0x164: {  	v3 =	vmul.f32 v0, v1  }
0x165: {  	v0 =	vmul.f32 v0, v61  }
0x166: {  	[tilespmem:s7+$0xFFFFFFC0] =	vst v3  }
0x167: {  	[tilespmem:s7+$0x0] =	vst v0  }
0x168: {  	v0 =	vld [tilespmem:s11+$0xFFFFFFF0];
	_ =	sdelay $0x4  }
0x169: {  	v62 =	vmul.f32 v0, v1  }
0x16a: {  	v0 =	vmul.f32 v0, v61  }
0x16b: {  	[tilespmem:s7+$0xFFFFFFD0] =	vst v62  }
0x16c: {  	[tilespmem:s7+$0x10] =	vst v0  }
0x16d: {  	v0 =	vld [tilespmem:s11+$0x0];
	_ =	sdelay $0x4  }
0x16e: {  	v63 =	vmul.f32 v0, v1  }
0x16f: {  	v0 =	vmul.f32 v0, v61  }
0x170: {  	[tilespmem:s7+$0xFFFFFFE0] =	vst v63  }
0x171: {  	[tilespmem:s7+$0x20] =	vst v0  }
0x172: {  	v0 =	vld [tilespmem:s11+$0x10];
	_ =	sdelay $0x2  }
0x173: {  	s31 =	sadd.s32 $0x1, s31  }
0x174: {  	p0 =	sne.s32 s31, $0x18  }
.Ltmp12:
0x175: {  	v1 =	vmul.f32 v0, v1;
	(pc) =	sbr.rel @p0 .LBB2_7-.Ltmp12, $4  }
.Ltmp13:
0x176: {  	v0 =	vmul.f32 v0, v61;
	(pc) =	sbr.rel @!p0 .LBB2_20-.Ltmp13, $4  }
0x177: {  	[tilespmem:s7+$0xFFFFFFF0] =	vst v1  }
0x178: {  	s30 =	sadd.s32 $0xA0, s30;
	[tilespmem:s7+$0x30] =	vst v0  }
0x179: {  	[spmem:s3] =	stream.indirect.scatter.add.f32 [tilespmem:s25], [sflag:$0x4], $0x80, s2, s16, $0xb8;
	[tilespmem:$0x1F280] =	vst v63  }
0x17a: {  	_ = 	snop  }
.LBB2_8:
.Ltmp14:
0x17b: {  	(pc) =	sbr.rel .LBB2_13-.Ltmp14, $2  }
0x17c: {  	_ =	sdelay $0x2  }
0x17d: {  	s4 =	smov.u32 s0;
	p2 =	por $0x0, $0x0  }
.LBB2_14:
.Ltmp15:
0x17e: {  	(pc) =	sbr.rel .LBB2_19-.Ltmp15, $2  }
0x17f: {  	_ =	sdelay $0x2  }
0x180: {  	_ = 	snop  }
.LBB2_10:
.Ltmp16:
0x181: {  	(pc) =	sbr.rel .LBB2_13-.Ltmp16, $2  }
0x182: {  	_ =	sdelay $0x2  }
0x183: {  	s8 =	simm.s32 $0x66C0;
	s13 =	simm.s32 $0x6740  }
.LBB2_16:
.Ltmp17:
0x184: {  	(pc) =	sbr.rel .LBB2_19-.Ltmp17, $2  }
0x185: {  	_ =	sdelay $0x2  }
0x186: {  	s4 =	simm.s32 $0x8EC0;
	s7 =	simm.s32 $0x8F40  }
.LBB2_22:
0x187: {  	_ =	sfence.sel $0x180000  }
0x188: {  	[bflag:$0x0] =	sbarrier.arrive $0xFFFF  }
0x189: {  	_ =	strace $0x90000047  }
0x18a: {  	s0 =	stileid.u32;
	[bflag:$0x2] =	sbarrier.arrive $0xFFFF  }
0x18b: {  	p0 =	sne.s32 s0, $0x0;
	s0 =	rddreg [dreg:$0x3]  }
0x18c: {  	s0 =	sadd.s32 @!p0 $0x100000, s0  }
0x18d: {  	[sflag:s0] =	ssyncadd.tile.s32 @!p0 $0x1;
	_ =	shalt  }
.Lfunc_end2:
_tile_overlayer_lowered:
.L_overlay_start_2:
0x18e: {  	(tag) =	ssettag $0x2  }
0x18f: {  	s0 =	rddreg [dreg:$0x0];
	s2 =	stileid.u32  }
0x190: {  	s1 =	rddreg [dreg:$0x1];
	p0 =	sne.s32 s2, $0x0  }
0x191: {  	s3 =	rddreg [dreg:$0x2];
	[bflag:$0x3] =	sbarrier.arrive $0xFFFF;
	s2 =	simm.s32 @!p0 $0x1C05  }
0x192: {  	[timem:s3], [sflag:s2] =	dma.local @!p0 [hbm:s0], s1  }
0x193: {  	s0 =	simm.s32 @!p0 $0x5  }
0x194: {  	_ =	swait.ge @!p0 [sflag:s0], s1  }
0x195: {  	s1 =	ssub.s32 @!p0 $0x0, s1;
	[sflag:s0] =	ssyncset.done @!p0 $0x0  }
0x196: {  	[sflag:s0] =	ssyncadd.s32 @!p0 s1  }
0x197: {  	[bflag:$0x3] =	sbarrier.arrive $0xFFFF  }
0x198: {  	_ =	shalt  }

// kernel: kernel.9.cloned.1.call-start
scs
__scs_entry_jumppad:
0x0: {  	(pc) =	sbr.rel $0x88, $3  }
0x1: {  	(tag) =	ssettag $0x0;
	lr =	simm.s32 $0x1  }
0x2: {  	[smem:$0x3F9B] =	sst lr;
	_ =	strace $0xD0000000  }
0x3: {  	_ = 	snop  }
0x4: {  	_ = 	snop  }
0x5: {  	_ = 	snop  }
0x6: {  	_ = 	snop  }
0x7: {  	_ = 	snop  }
__scs_overlays_trampoline_lowered:
0x8: {  	[smem:$0x3FAA] =	sst s0  }
0x9: {  	[smem:$0x3FAB] =	sst s1  }
0xa: {  	[smem:$0x3FAC] =	sst s2  }
0xb: {  	[smem:$0x3FAD] =	sst s3  }
0xc: {  	[smem:$0x3FAE] =	sst s4  }
0xd: {  	[smem:$0x3FAF] =	sst s5  }
0xe: {  	[smem:$0x3FB0] =	sst s6  }
0xf: {  	[smem:$0x3FB1] =	sst s7  }
0x10: {  	[smem:$0x3FB2] =	sst s8  }
0x11: {  	[smem:$0x3FB3] =	sst s9;
	s0 =	simm.s32 @!p0 $0x0  }
0x12: {  	s1 =	sld [smem:$0x3F99];
	s0 =	simm.s32 @p0 $0x1  }
0x13: {  	[smem:$0x3FB4] =	sst s0;
	s0 =	simm.s32 @!p1 $0x0  }
0x14: {  	s2 =	sld [smem:$0x3F98];
	s0 =	simm.s32 @p1 $0x1  }
0x15: {  	[smem:$0x3FB5] =	sst s0;
	s0 =	simm.s32 @!p2 $0x0  }
0x16: {  	s3 =	sld [smem:$0x3FDB];
	s0 =	simm.s32 @p2 $0x1  }
0x17: {  	s4 =	simm.s32 $0x1BF5;
	[smem:$0x3FB7] =	sst s0  }
0x18: {  	s0 =	sld [smem:$0x3F9A];
	_ =	swait.ge [sflag:s4], $0x0  }
0x19: {  	s7 =	sld [smem:$0x3F9B]  }
0x1a: {  	s8 =	sadd.s32 $0xFFFFE003, lr  }
0x1b: {  	s9 =	sadd.s32 $0xFFFFFEF7, lr;
	s5 =	simm.s32 $0xFFFFFFFF;
	p2 =	slt.u32 s8, $0xFFFFF086  }
0x1c: {  	p1 =	slt.u32 s9, $0xF7A;
	s5 =	simm.s32 @!p2 $0x0  }
0x1d: {  	s5 =	simm.s32 @p1 $0x1;
	p0 =	seq.s32 s7, s2  }
0x1e: {  	s7 =	smul.u32 @!p0 $0xF7A, s2;
	p2 =	seq.s32 @!p0 s5, $0x0  }
0x1f: {  	s9 =	smul.u32 $0xF7A, s1;
	s8 =	simm.s32 @!p0 $0x1BF5;
	p2 =	por !p2, p0  }
0x20: {  	[sflag:s8] =	ssyncset.s32 @!p0 $0xFFFFF086;
	s6 =	sadd.s32 @!p0 s3, s7;
	s7 =	simm.s32 @!p0 $0x108  }
0x21: {  	s3 =	sadd.s32 s3, s9;
	s6 =	sadd.s32 @!p0 $0x88, s6;
	s7 =	simm.s32 @p2 $0x1082  }
0x22: {  	[simem:s7], [sflag:s8] =	dma.local @!p0 [hbm:s6], $0xF7A  }
0x23: {  	s9 =	sor.u32 $0xD0000000, s2;
	s6 =	simm.s32 $0x108;
	_ =	swait.ge @!p0 [sflag:s8], $0x0  }
0x24: {  	s3 =	sadd.s32 $0x88, s3;
	s6 =	simm.s32 @!p1 $0x1082;
	[sflag:s4] =	ssyncset.s32 $0xFFFFF086  }
0x25: {  	[simem:s6], [sflag:s4] =	dma.local [hbm:s3], $0xF7A  }
0x26: {  	[smem:$0x3F9B] =	sst s1;
	(tag) =	ssettag s2;
	_ =	strace s9  }
0x27: {  	s1 =	sld [smem:$0x3FAB]  }
0x28: {  	s2 =	sld [smem:$0x3FAC]  }
0x29: {  	s4 =	sld [smem:$0x3FAE]  }
0x2a: {  	p0 =	seq.s32 s5, $0x0;
	s5 =	sld [smem:$0x3FAF]  }
0x2b: {  	s6 =	sld [smem:$0x3FB0]  }
0x2c: {  	s7 =	sld [smem:$0x3FB1]  }
0x2d: {  	s3 =	simm.s32 $0x108;
	s8 =	sld [smem:$0x3FB2]  }
0x2e: {  	s3 =	simm.s32 @!p0 $0x1082;
	s9 =	sld [smem:$0x3FB3]  }
0x2f: {  	lr =	sadd.s32 s0, s3;
	s0 =	sld [smem:$0x3FAA]  }
0x30: {  	s3 =	sld [smem:$0x3FAD]  }
0x31: {  	[smem:$0x3FB6] =	sst s10  }
0x32: {  	s10 =	sld [smem:$0x3FB4];
	_ =	sdelay $0x3  }
0x33: {  	p0 =	seq.s32 s10, $0x1;
	s10 =	sld [smem:$0x3FB6];
	_ =	sdelay $0x3  }
0x34: {  	[smem:$0x3FB6] =	sst s10  }
0x35: {  	s10 =	sld [smem:$0x3FB5];
	_ =	sdelay $0x3  }
0x36: {  	p1 =	seq.s32 s10, $0x1;
	s10 =	sld [smem:$0x3FB6];
	_ =	sdelay $0x3  }
0x37: {  	[smem:$0x3FB6] =	sst s10  }
0x38: {  	s10 =	sld [smem:$0x3FB7]  }
0x39: {  	_ = 	snop;
	(pc) =	sbr.ind lr, $3  }
0x3a: {  	_ = 	snop  }
0x3b: {  	_ = 	snop  }
0x3c: {  	p2 =	seq.s32 s10, $0x1;
	s10 =	sld [smem:$0x3FB6]  }
0x3d: {  	_ =	shalt  }
0x3e: {  	_ =	shalt  }
0x3f: {  	_ =	shalt  }
0x40: {  	_ =	shalt  }
0x41: {  	_ =	shalt  }
0x42: {  	_ =	shalt  }
0x43: {  	_ =	shalt  }
0x44: {  	_ =	shalt  }
0x45: {  	_ =	shalt  }
0x46: {  	_ =	shalt  }
0x47: {  	_ =	shalt  }
0x48: {  	_ =	shalt  }
0x49: {  	_ =	shalt  }
0x4a: {  	_ =	shalt  }
0x4b: {  	_ =	shalt  }
0x4c: {  	_ =	shalt  }
0x4d: {  	_ =	shalt  }
0x4e: {  	_ =	shalt  }
0x4f: {  	_ =	shalt  }
0x50: {  	_ =	shalt  }
0x51: {  	_ =	shalt  }
0x52: {  	_ =	shalt  }
0x53: {  	_ =	shalt  }
0x54: {  	_ =	shalt  }
0x55: {  	_ =	shalt  }
0x56: {  	_ =	shalt  }
0x57: {  	_ =	shalt  }
0x58: {  	_ =	shalt  }
0x59: {  	_ =	shalt  }
0x5a: {  	_ =	shalt  }
0x5b: {  	_ =	shalt  }
0x5c: {  	_ =	shalt  }
0x5d: {  	_ =	shalt  }
0x5e: {  	_ =	shalt  }
0x5f: {  	_ =	shalt  }
0x60: {  	_ =	shalt  }
0x61: {  	_ =	shalt  }
0x62: {  	_ =	shalt  }
0x63: {  	_ =	shalt  }
0x64: {  	_ =	shalt  }
0x65: {  	_ =	shalt  }
0x66: {  	_ =	shalt  }
0x67: {  	_ =	shalt  }
0x68: {  	_ =	shalt  }
0x69: {  	_ =	shalt  }
0x6a: {  	_ =	shalt  }
0x6b: {  	_ =	shalt  }
0x6c: {  	_ =	shalt  }
0x6d: {  	_ =	shalt  }
0x6e: {  	_ =	shalt  }
0x6f: {  	_ =	shalt  }
0x70: {  	_ =	shalt  }
0x71: {  	_ =	shalt  }
0x72: {  	_ =	shalt  }
0x73: {  	_ =	shalt  }
0x74: {  	_ =	shalt  }
0x75: {  	_ =	shalt  }
0x76: {  	_ =	shalt  }
0x77: {  	_ =	shalt  }
0x78: {  	_ =	shalt  }
0x79: {  	_ =	shalt  }
0x7a: {  	_ =	shalt  }
0x7b: {  	_ =	shalt  }
0x7c: {  	_ =	shalt  }
0x7d: {  	_ =	shalt  }
0x7e: {  	_ =	shalt  }
0x7f: {  	_ =	shalt  }
0x80: {  	_ =	shalt  }
0x81: {  	_ =	shalt  }
0x82: {  	_ =	shalt  }
0x83: {  	_ =	shalt  }
0x84: {  	_ =	shalt  }
0x85: {  	_ =	shalt  }
0x86: {  	_ =	shalt  }
0x87: {  	_ =	shalt  }
.Lfunc_end0:
.L_simem_size_0:
called_computation.1_lowered:
.L_overlay_start_0:
0x88: {  	s2 =	sld [smem:$0x3FD9]  }
0x89: {  	s3 =	sld [smem:$0x3FFE];
	_ =	sdelay $0x1  }
0x8a: {  	s1 =	srdreg.scid  }
0x8b: {  	s0 =	sand.u32 $0x1, s1  }
0x8c: {  	s17 =	sshll.u32 s0, $0xA;
	s2 =	sadd.s32 s3, s2  }
0x8d: {  	s2 =	sadd.s32 s2, s17  }
0x8e: {  	[smem:$0x3FC2] =	sst s2  }
0x8f: {  	_ = 	snop  }
0x90: {  	s2 =	sld [smem:$0x3FD0];
	(tm) =	ssettm $0x1  }
0x91: {  	s18 =	sld [smem:$0x3FFB];
	_ =	sdelay $0x3  }
0x92: {  	_ =	strace s18  }
0x93: {  	s3 =	sld [smem:$0x3FFC];
	_ =	sdelay $0x3  }
0x94: {  	_ =	strace s3  }
0x95: {  	s3 =	sld [smem:$0x3FFD];
	_ =	sdelay $0x3  }
0x96: {  	_ =	strace s3  }
0x97: {  	_ =	strace $0x8FFFFFFF  }
0x98: {  	s19 =	sld [smem:$0x3FDB];
	_ =	sdelay $0x1  }
0x99: {  	s4 =	simm.s32 $_scs_section_size  }
0x9a: {  	s5 =	simm.s32 $_size__tile_overlayer_lowered;
	s6 =	simm.s32 $_tile_overlayer_lowered  }
0x9b: {  	s22 =	simm.s32 $0x1BFF;
	s21 =	sshll.u32 s6, $0x1;
	s3 =	sadd.s32 s4, s19  }
0x9c: {  	s7 =	simm.s32 $0x0;
	s20 =	sshll.u32 s5, $0x1;
	s5 =	sadd.s32 s21, s3  }
0x9d: {  	[timem:s7], [sflag:s22] =	dma.local [hbm:s5], s20  }
0x9e: {  	_ =	swait.ge [sflag:s22], s20  }
0x9f: {  	s4 =	ssub.s32 $0x0, s20;
	[sflag:s22] =	ssyncset.done $0x0  }
0xa0: {  	[sflag:s22] =	ssyncadd.s32 s4;
	_ =	sdelay $0x1  }
0xa1: {  	s23 =	simm.s32 $0x1B8B  }
0xa2: {  	_ =	swait.ge [sflag:s23], $0x1  }
0xa3: {  	[sflag:s23] =	ssyncset.done $0x0  }
0xa4: {  	s25 =	simm.s32 $0x1B8E;
	s24 =	sld [smem:$0x3FFE];
	[sflag:s23] =	ssyncadd.s32 $0xFFFFFFFF  }
0xa5: {  	s26 =	simm.s32 $execute0_lowered;
	[smem:$0x3FD2] =	sst s25  }
0xa6: {  	s5 =	sshll.u32 s26, $0x1;
	_ =	strace $0x80000049;
	[dreg:$0x1] =	wrdreg $0xFFFFFFFF  }
0xa7: {  	s28 =	simm.s32 $_size_execute0_lowered;
	s3 =	sadd.s32 s3, s5;
	[dreg:$0x0] =	wrdreg $0x0  }
0xa8: {  	s5 =	sshll.u32 s28, $0x1;
	[dreg:$0x2] =	wrdreg s3  }
0xa9: {  	[dreg:$0x3] =	wrdreg s5  }
0xaa: {  	[dreg:$0x4] =	wrdreg $0xC0  }
0xab: {  	_ =	task [dreg:s7], $0x5FFFF  }
0xac: {  	[dreg:$0x1] =	wrdreg $0xFFFFFFFF  }
0xad: {  	[dreg:$0x0] =	wrdreg $0x60  }
0xae: {  	[dreg:$0x2] =	wrdreg s2  }
0xaf: {  	[dreg:$0x3] =	wrdreg s24  }
0xb0: {  	[dreg:$0x4] =	wrdreg $0xB6800  }
0xb1: {  	[dreg:$0x5] =	wrdreg $0x9  }
0xb2: {  	_ =	task.clear_ibuf [dreg:s7], $0x6FFFF;
	_ =	strace $0x90000049  }
0xb3: {  	s29 =	simm.s32 $0x9;
	_ =	strace $0x8000004B  }
0xb4: {  	_ =	swait.ge [sflag:s29], $0x1  }
0xb5: {  	[sflag:s29] =	ssyncadd.s32 $0xFFFFFFFF  }
0xb6: {  	_ =	strace $0x9000004B  }
0xb7: {  	_ =	sfence  }
0xb8: {  	s30 =	sld [smem:$0x0];
	_ =	sdelay $0x2  }
0xb9: {  	s31 =	sshll.u32 s1, $0xD;
	s1 =	sshrl.u32 s1, $0x2  }
0xba: {  	s3 =	sand.u32 $0x4000, s31;
	s1 =	sadd.s32 s1, s30  }
0xbb: {  	s0 =	sor.u32 s3, s0;
	s1 =	sshll.u32 s1, $0x11  }
0xbc: {  	s0 =	sor.u32 s1, s0  }
0xbd: {  	s0 =	sadd.s32 $0x8F2B, s0  }
0xbe: {  	[sflag:s0] =	ssyncadd.remote.s32 $0x1  }
0xbf: {  	_ =	sfence.sel $0xFFFF  }
0xc0: {  	[dreg:$0x0] =	wrdreg $0xFFFFFFFF;
	(pc) =	sbr.abs _section_cstart, $3  }
0xc1: {  	[dreg:$0x1] =	wrdreg $0xFFFFFFFF  }
0xc2: {  	_ =	task.clear_ibuf [dreg:s7], $0x2FFFF;
	_ =	strace $0x9FFFFFFF  }
0xc3: {  	(tm) =	ssettm $0x7FFFFFFF  }
tec
execute0_lowered:
.L_overlay_start_1:
0x0: {  	(tag) =	ssettag $0x1  }
0x1: {  	s1 =	rddreg [dreg:$0x0]  }
0x2: {  	s0 =	rddreg [dreg:$0x1]  }
0x3: {  	s3 =	rddreg [dreg:$0x2];
	s11 =	simm.s32 $0x0  }
0x4: {  	s2 =	srdreg.scid;
	s10 =	stileid.u32;
	s14 =	simm.s32 $0x5  }
0x5: {  	s15 =	simm.s32 $0x1F40;
	s16 =	simm.s32 $0x50;
	s17 =	simm.s32 $0x3E80  }
0x6: {  	s18 =	simm.s32 $0x5280;
	s19 =	simm.s32 $0x1;
	s21 =	simm.s32 $0x6680  }
0x7: {  	s23 =	simm.s32 $0x2;
	s24 =	simm.s32 $0xFF0;
	[smem:$0x7FF] =	sst s11  }
0x8: {  	s2 =	sand.u32 $0x1, s2;
	s4 =	smul.u32 $0x2780, s10;
	s5 =	sadd.s32 $0x800, s0  }
0x9: {  	s6 =	sadd.s32 $0x8CC00, s0;
	s9 =	smul.u32 $0x4F000, s10;
	s12 =	sadd.s32 $0x3B400, s0  }
0xa: {  	s30 =	sshll.u32 s10, $0x6;
	_ =	strace $0x8000004A;
	s7 =	smul.u32 $0x27800, s2  }
0xb: {  	s8 =	ssub.s32 $0x2, s2;
	[dreg:$0x5] =	wrdreg s12;
	s2 =	sshll.u32 s2, $0x4  }
0xc: {  	s25 =	sshrl.u32 s8, $0x1;
	s29 =	sshrl.u32 s9, $0x2;
	s9 =	smul.u32 $0x5, s10  }
0xd: {  	s2 =	sor.u32 s10, s2;
	s4 =	sadd.s32 s4, s7;
	s26 =	ssub.s32 s8, s25  }
.Ltmp0:
0xe: {  	s7 =	sadd.s32 s29, s3;
	s8 =	sor.u32 $0x1C05, s30;
	(pc) =	sbr.rel .LBB2_1-.Ltmp0, $4  }
0xf: {  	s10 =	smul.u32 $0x5, s2;
	s31 =	smax.u32 s26, $0x1;
	[dreg:$0x6] =	wrdreg s8  }
0x10: {  	s0 =	sadd.s32 s4, s0;
	s2 =	sshrl.u32 s7, $0x3;
	[dreg:$0x8] =	wrdreg s31  }
0x11: {  	s28 =	simm.s32 $0x4;
	s0 =	sadd.s32 $0x3DC00, s0;
	[dreg:$0x9] =	wrdreg s2  }
0x12: {  	s25 =	simm.s32 $0x8E80;
	s26 =	simm.s32 $0x3;
	[dreg:$0x7] =	wrdreg s0  }
.LBB2_21:
0x13: {  	[bflag:$0x0] =	sbarrier.arrive $0xFFFF  }
0x14: {  	s8 =	rddreg [dreg:$0x6]  }
0x15: {  	s0 =	rddreg [dreg:$0x7]  }
0x16: {  	s2 =	rddreg [dreg:$0x9]  }
0x17: {  	[hbm:s0], [sflag:s8] =	dma.local [spmem:s2], $0x2780  }
0x18: {  	_ =	swait.ge [sflag:s14], $0x2780  }
0x19: {  	s11 =	rddreg [dreg:$0x4]  }
0x1a: {  	s31 =	rddreg [dreg:$0x8];
	s11 =	sadd.s32 $0x1, s11  }
0x1b: {  	p0 =	sne.s32 s11, s31  }
.Ltmp1:
0x1c: {  	_ = 	snop;
	(pc) =	sbr.rel @!p0 .LBB2_22-.Ltmp1, $3  }
0x1d: {  	_ =	sdelay $0x1  }
0x1e: {  	[sflag:s14] =	ssyncset.done $0x0  }
0x1f: {  	[sflag:s14] =	ssyncadd.s32 $0xFFFFD880  }
.LBB2_1:
0x20: {  	[dreg:$0x4] =	wrdreg s11  }
0x21: {  	s0 =	rddreg [dreg:$0x5]  }
0x22: {  	[spmem:s2], [sflag:s8] =	dma.local [hbm:s0], $0x2780  }
.Ltmp2:
0x23: {  	_ =	swait.ge [sflag:s14], $0x2780;
	(pc) =	sbr.rel .LBB2_2-.Ltmp2, $4  }
0x24: {  	[sflag:s14] =	ssyncset.done $0x0  }
0x25: {  	[sflag:s14] =	ssyncadd.s32 $0xFFFFD880  }
0x26: {  	[bflag:$0x0] =	sbarrier.arrive $0xFFFF  }
0x27: {  	s29 =	simm.s32 $0x0  }
.LBB2_20:
0x28: {  	s29 =	sadd.s32 $0x1, s29  }
0x29: {  	_ =	swait.ge [sflag:s26], $0x2800;
	p0 =	sne.s32 s29, $0x5  }
.Ltmp3:
0x2a: {  	[sflag:s26] =	ssyncset.done $0x0;
	(pc) =	sbr.rel @!p0 .LBB2_21-.Ltmp3, $4  }
0x2b: {  	[sflag:s26] =	ssyncadd.s32 $0xFFFFD800  }
0x2c: {  	_ =	swait.ge [sflag:s28], $0x2800  }
0x2d: {  	[sflag:s28] =	ssyncset.done $0x0  }
0x2e: {  	[sflag:s28] =	ssyncadd.s32 $0xFFFFD800  }
.LBB2_2:
0x2f: {  	s0 =	sadd.s32 s10, s29  }
0x30: {  	s0 =	smul.u32 $0x3E8, s0;
	_ =	sdelay $0x1  }
0x31: {  	s2 =	sadd.s32 s9, s29;
	s4 =	simm.s32 $0x0;
	s0 =	sadd.s32 s5, s0  }
0x32: {  	[tilespmem:s4], [sflag:$0x5] =	stream.linear.gather [hbm4b:s0+s4], $0x1F40, $0x38;
	[tilespmem:$0x1F280] =	vst v63  }
0x33: {  	s22 =	smul.u32 $0x3E8, s2;
	_ =	swait.ge [sflag:s14], $0x1F40  }
0x34: {  	[sflag:s14] =	ssyncset.done $0x0  }
0x35: {  	s0 =	sadd.s32 s6, s22;
	[sflag:s14] =	ssyncadd.s32 $0xFFFFE0C0  }
0x36: {  	[tilespmem:s15], [sflag:$0x5] =	stream.linear.gather [hbm4b:s0+s4], $0x1F40, $0x38;
	[tilespmem:$0x1F280] =	vst v63  }
0x37: {  	_ =	swait.ge [sflag:s14], $0x1F40  }
0x38: {  	[sflag:s14] =	ssyncset.done $0x0  }
0x39: {  	[sflag:s14] =	ssyncadd.s32 $0xFFFFE0C0  }
0x3a: {  	[tilespmem:s17], [sflag:$0x1] =	stream.indirect.gather [hbm4b:s1+s16], $0x40, s4, s16, $0xb8;
	[tilespmem:$0x1F280] =	vst v63  }
0x3b: {  	s30 =	simm.s32 $0xFA0  }
0x3c: {  	v0 =	vmov s4;
	[tilespmem:s18], [sflag:$0x2] =	stream.indirect.gather [hbm4b:s1+s16], $0x40, s16, s16, $0xb8;
	[tilespmem:$0x1F280] =	vst v63  }
0x3d: {  	v2 =	vmov s30;
	_ =	swait.ge [sflag:s19], $0x1400  }
0x3e: {  	[sflag:s19] =	ssyncset.done $0x0  }
0x3f: {  	s31 =	simm.s32 $0x3EA0;
	[sflag:s19] =	ssyncadd.s32 $0xFFFFEC00  }
0x40: {  	v3 =	vld [tilespmem:s31+$0xFFFFFFE0]  }
0x41: {  	v1 =	vld.idx.msk [tilespmem:v0+s15+$0x0], $0xffff  }
0x42: {  	v2 =	vld.idx.msk [tilespmem:v2+s15+$0x0], $0xffff;
	_ =	sdelay $0x3  }
0x43: {  	v0 =	vmul.f32 v3, v1  }
0x44: {  	s0 =	simm.s32 $0x66C0;
	v3 =	vmul.f32 v3, v2  }
0x45: {  	[tilespmem:s0+$0xFFFFFFC0] =	vst v0  }
0x46: {  	[tilespmem:s0+$0x0] =	vst v3  }
0x47: {  	v0 =	vld [tilespmem:s31+$0xFFFFFFF0];
	_ =	sdelay $0x4  }
0x48: {  	v3 =	vmul.f32 v0, v1  }
0x49: {  	v0 =	vmul.f32 v0, v2  }
0x4a: {  	[tilespmem:s0+$0xFFFFFFD0] =	vst v3  }
0x4b: {  	[tilespmem:s0+$0x10] =	vst v0  }
0x4c: {  	v0 =	vld [tilespmem:s31+$0x0];
	_ =	sdelay $0x4  }
0x4d: {  	v3 =	vmul.f32 v0, v1  }
0x4e: {  	v0 =	vmul.f32 v0, v2  }
0x4f: {  	[tilespmem:s0+$0xFFFFFFE0] =	vst v3  }
0x50: {  	[tilespmem:s0+$0x20] =	vst v0  }
0x51: {  	v3 =	vld [tilespmem:s31+$0x10];
	_ =	sdelay $0x1  }
0x52: {  	s8 =	simm.s32 $0x1  }
0x53: {  	s11 =	simm.s32 $0x2;
	s7 =	simm.s32 $0x66C0;
	s2 =	simm.s32 $0x3EE0;
	v0 =	vmov s8  }
.LBB2_3:
0x54: {  	s12 =	sadd.s32 $0xFA0, s8  }
0x55: {  	v4 =	vmov s11;
	v1 =	vmul.f32 v3, v1;
	v2 =	vmul.f32 v3, v2;
	s0 =	sadd.s32 $0x80, s0;
	s8 =	smov.u32 s11;
	s4 =	sadd.s32 $0x1, s11  }
0x56: {  	p0 =	sne.s32 s11, $0x4F;
	v3 =	vmov s12  }
0x57: {  	[tilespmem:s7+$0xFFFFFFF0] =	vst v1  }
0x58: {  	[tilespmem:s7+$0x30] =	vst v2;
	s7 =	smov.u32 s0  }
0x59: {  	v5 =	vld [tilespmem:s2+$0xFFFFFFE0]  }
0x5a: {  	v1 =	vld.idx.msk [tilespmem:v0+s15+$0x0], $0xffff;
	v0 =	vmov v4  }
0x5b: {  	v2 =	vld.idx.msk [tilespmem:v3+s15+$0x0], $0xffff;
	_ =	sdelay $0x4  }
0x5c: {  	v3 =	vmul.f32 v5, v1  }
0x5d: {  	v4 =	vmul.f32 v5, v2  }
0x5e: {  	[tilespmem:s0+$0xFFFFFFC0] =	vst v3  }
0x5f: {  	[tilespmem:s0+$0x0] =	vst v4  }
0x60: {  	v3 =	vld [tilespmem:s2+$0xFFFFFFF0];
	_ =	sdelay $0x4  }
0x61: {  	v4 =	vmul.f32 v3, v1;
	v3 =	vmul.f32 v3, v2;
	_ =	sdelay $0x1  }
0x62: {  	[tilespmem:s0+$0xFFFFFFD0] =	vst v4  }
0x63: {  	[tilespmem:s0+$0x10] =	vst v3  }
0x64: {  	v3 =	vld [tilespmem:s2+$0x0];
	_ =	sdelay $0x4  }
0x65: {  	v4 =	vmul.f32 v3, v1;
	v3 =	vmul.f32 v3, v2;
	_ =	sdelay $0x1  }
0x66: {  	[tilespmem:s0+$0xFFFFFFE0] =	vst v4  }
0x67: {  	[tilespmem:s0+$0x20] =	vst v3  }
.Ltmp4:
0x68: {  	v3 =	vld [tilespmem:s2+$0x10];
	(pc) =	sbr.rel @p0 .LBB2_3-.Ltmp4, $2  }
0x69: {  	_ =	sdelay $0x2  }
0x6a: {  	s11 =	smov.u32 s4;
	s2 =	sadd.s32 $0x40, s2  }
0x6b: {  	s4 =	sadd.s32 $0xFA0, s8;
	v1 =	vmul.f32 v3, v1  }
0x6c: {  	v2 =	vmul.f32 v3, v2;
	v3 =	vmov s4  }
0x6d: {  	[tilespmem:s7+$0xFFFFFFF0] =	vst v1  }
0x6e: {  	[tilespmem:s7+$0x30] =	vst v2  }
0x6f: {  	v1 =	vld [tilespmem:s2+$0xFFFFFFE0]  }
0x70: {  	v0 =	vld.idx.msk [tilespmem:v0+s15+$0x0], $0xffff  }
0x71: {  	v2 =	vld.idx.msk [tilespmem:v3+s15+$0x0], $0xffff;
	_ =	sdelay $0x3  }
0x72: {  	v3 =	vmul.f32 v1, v0  }
0x73: {  	s0 =	sadd.s32 $0x80, s0;
	v1 =	vmul.f32 v1, v2  }
0x74: {  	[tilespmem:s0+$0xFFFFFFC0] =	vst v3  }
0x75: {  	[tilespmem:s0+$0x0] =	vst v1  }
0x76: {  	v1 =	vld [tilespmem:s2+$0xFFFFFFF0];
	_ =	sdelay $0x4  }
0x77: {  	v3 =	vmul.f32 v1, v0  }
0x78: {  	v1 =	vmul.f32 v1, v2  }
0x79: {  	[tilespmem:s0+$0xFFFFFFD0] =	vst v3  }
0x7a: {  	[tilespmem:s0+$0x10] =	vst v1  }
0x7b: {  	v1 =	vld [tilespmem:s2+$0x0];
	_ =	sdelay $0x4  }
0x7c: {  	v3 =	vmul.f32 v1, v0  }
0x7d: {  	v1 =	vmul.f32 v1, v2  }
0x7e: {  	[tilespmem:s0+$0xFFFFFFE0] =	vst v3  }
0x7f: {  	[tilespmem:s0+$0x20] =	vst v1  }
0x80: {  	v1 =	vld [tilespmem:s2+$0x10];
	_ =	sdelay $0x4  }
0x81: {  	v0 =	vmul.f32 v1, v0  }
0x82: {  	v1 =	vmul.f32 v1, v2  }
0x83: {  	[tilespmem:s0+$0xFFFFFFF0] =	vst v0  }
0x84: {  	s13 =	simm.s32 $0xFA0;
	[tilespmem:s0+$0x30] =	vst v1  }
0x85: {  	[spmem:s3] =	stream.indirect.scatter.add.f32 [tilespmem:s21], [sflag:$0x3], $0x80, s13, s16, $0xb8;
	[tilespmem:$0x1F280] =	vst v63  }
0x86: {  	s20 =	simm.s32 $0xA0;
	s22 =	simm.s32 $0xFF0;
	s30 =	simm.s32 $0x50  }
0x87: {  	v0 =	vmov s22;
	[tilespmem:s17], [sflag:$0x1] =	stream.indirect.gather [hbm4b:s1+s16], $0x40, s20, s16, $0xb8;
	[tilespmem:$0x1F280] =	vst v63  }
0x88: {  	v2 =	vmov s30;
	_ =	swait.ge [sflag:s23], $0x1400  }
0x89: {  	[sflag:s23] =	ssyncset.done $0x0  }
0x8a: {  	s31 =	simm.s32 $0x52A0;
	[sflag:s23] =	ssyncadd.s32 $0xFFFFEC00  }
0x8b: {  	v3 =	vld [tilespmem:s31+$0xFFFFFFE0]  }
0x8c: {  	v1 =	vld.idx.msk [tilespmem:v0+s15+$0x0], $0xffff  }
0x8d: {  	v2 =	vld.idx.msk [tilespmem:v2+s15+$0x0], $0xffff;
	_ =	sdelay $0x3  }
0x8e: {  	v0 =	vmul.f32 v3, v1  }
0x8f: {  	s0 =	simm.s32 $0x8EC0;
	v3 =	vmul.f32 v3, v2  }
0x90: {  	[tilespmem:s0+$0x0] =	vst v0  }
0x91: {  	[tilespmem:s0+$0xFFFFFFC0] =	vst v3  }
0x92: {  	v0 =	vld [tilespmem:s31+$0xFFFFFFF0];
	_ =	sdelay $0x4  }
0x93: {  	v3 =	vmul.f32 v0, v2  }
0x94: {  	v0 =	vmul.f32 v0, v1  }
0x95: {  	[tilespmem:s0+$0xFFFFFFD0] =	vst v3  }
0x96: {  	[tilespmem:s0+$0x10] =	vst v0  }
0x97: {  	v0 =	vld [tilespmem:s31+$0x0];
	_ =	sdelay $0x4  }
0x98: {  	v3 =	vmul.f32 v0, v2  }
0x99: {  	v0 =	vmul.f32 v0, v1  }
0x9a: {  	[tilespmem:s0+$0xFFFFFFE0] =	vst v3  }
0x9b: {  	[tilespmem:s0+$0x20] =	vst v0  }
0x9c: {  	v3 =	vld [tilespmem:s31+$0x10];
	_ =	sdelay $0x1  }
0x9d: {  	s8 =	simm.s32 $0xFF1  }
0x9e: {  	s11 =	simm.s32 $0xFF2;
	s7 =	simm.s32 $0x8EC0;
	s2 =	simm.s32 $0x52E0;
	v0 =	vmov s8  }
.LBB2_5:
0x9f: {  	s12 =	sadd.s32 $0xFFFFF060, s8  }
0xa0: {  	v4 =	vmov s11;
	v2 =	vmul.f32 v3, v2;
	v1 =	vmul.f32 v3, v1;
	s0 =	sadd.s32 $0x80, s0;
	s8 =	smov.u32 s11;
	s4 =	sadd.s32 $0x1, s11  }
0xa1: {  	p0 =	sne.s32 s11, $0x103F;
	v3 =	vmov s12  }
0xa2: {  	[tilespmem:s7+$0xFFFFFFF0] =	vst v2  }
0xa3: {  	[tilespmem:s7+$0x30] =	vst v1;
	s7 =	smov.u32 s0  }
0xa4: {  	v5 =	vld [tilespmem:s2+$0xFFFFFFE0]  }
0xa5: {  	v1 =	vld.idx.msk [tilespmem:v0+s15+$0x0], $0xffff;
	v0 =	vmov v4  }
0xa6: {  	v2 =	vld.idx.msk [tilespmem:v3+s15+$0x0], $0xffff;
	_ =	sdelay $0x4  }
0xa7: {  	v3 =	vmul.f32 v5, v1  }
0xa8: {  	v4 =	vmul.f32 v5, v2  }
0xa9: {  	[tilespmem:s0+$0x0] =	vst v3  }
0xaa: {  	[tilespmem:s0+$0xFFFFFFC0] =	vst v4  }
0xab: {  	v3 =	vld [tilespmem:s2+$0xFFFFFFF0];
	_ =	sdelay $0x4  }
0xac: {  	v4 =	vmul.f32 v3, v2;
	v3 =	vmul.f32 v3, v1;
	_ =	sdelay $0x1  }
0xad: {  	[tilespmem:s0+$0xFFFFFFD0] =	vst v4  }
0xae: {  	[tilespmem:s0+$0x10] =	vst v3  }
0xaf: {  	v3 =	vld [tilespmem:s2+$0x0];
	_ =	sdelay $0x4  }
0xb0: {  	v4 =	vmul.f32 v3, v2;
	v3 =	vmul.f32 v3, v1;
	_ =	sdelay $0x1  }
0xb1: {  	[tilespmem:s0+$0xFFFFFFE0] =	vst v4  }
0xb2: {  	[tilespmem:s0+$0x20] =	vst v3  }
.Ltmp5:
0xb3: {  	v3 =	vld [tilespmem:s2+$0x10];
	(pc) =	sbr.rel @p0 .LBB2_5-.Ltmp5, $2  }
0xb4: {  	_ =	sdelay $0x2  }
0xb5: {  	s11 =	smov.u32 s4;
	s2 =	sadd.s32 $0x40, s2  }
0xb6: {  	s4 =	sadd.s32 $0xFFFFF060, s8;
	v2 =	vmul.f32 v3, v2  }
0xb7: {  	v1 =	vmul.f32 v3, v1;
	v60 =	vmov s4  }
0xb8: {  	[tilespmem:s7+$0xFFFFFFF0] =	vst v2  }
0xb9: {  	[tilespmem:s7+$0x30] =	vst v1  }
0xba: {  	v1 =	vld [tilespmem:s2+$0xFFFFFFE0]  }
0xbb: {  	v0 =	vld.idx.msk [tilespmem:v0+s15+$0x0], $0xffff  }
0xbc: {  	v2 =	vld.idx.msk [tilespmem:v60+s15+$0x0], $0xffff;
	_ =	sdelay $0x3  }
0xbd: {  	v61 =	vmul.f32 v1, v0  }
0xbe: {  	s0 =	sadd.s32 $0x80, s0;
	v1 =	vmul.f32 v1, v2  }
0xbf: {  	[tilespmem:s0+$0x0] =	vst v61  }
0xc0: {  	[tilespmem:s0+$0xFFFFFFC0] =	vst v1  }
0xc1: {  	v1 =	vld [tilespmem:s2+$0xFFFFFFF0];
	_ =	sdelay $0x4  }
0xc2: {  	v62 =	vmul.f32 v1, v2  }
0xc3: {  	v1 =	vmul.f32 v1, v0  }
0xc4: {  	[tilespmem:s0+$0xFFFFFFD0] =	vst v62  }
0xc5: {  	[tilespmem:s0+$0x10] =	vst v1  }
0xc6: {  	v1 =	vld [tilespmem:s2+$0x0];
	_ =	sdelay $0x4  }
0xc7: {  	v63 =	vmul.f32 v1, v2  }
0xc8: {  	v1 =	vmul.f32 v1, v0  }
0xc9: {  	[tilespmem:s0+$0xFFFFFFE0] =	vst v63  }
0xca: {  	[tilespmem:s0+$0x20] =	vst v1  }
0xcb: {  	v1 =	vld [tilespmem:s2+$0x10];
	_ =	sdelay $0x4  }
0xcc: {  	v2 =	vmul.f32 v1, v2  }
0xcd: {  	v0 =	vmul.f32 v1, v0  }
0xce: {  	[tilespmem:s0+$0xFFFFFFF0] =	vst v2  }
0xcf: {  	s30 =	simm.s32 $0x0;
	s31 =	simm.s32 $0x0;
	[tilespmem:s0+$0x30] =	vst v0  }
0xd0: {  	[spmem:s3] =	stream.indirect.scatter.add.f32 [tilespmem:s25], [sflag:$0x4], $0x80, s24, s16, $0xb8;
	[tilespmem:$0x1F280] =	vst v63  }
.LBB2_7:
0xd1: {  	s2 =	smul.u32 $0xA0, s31;
	_ =	sdelay $0x1  }
0xd2: {  	s0 =	sadd.s32 $0xF0, s2  }
0xd3: {  	[tilespmem:s18], [sflag:$0x2] =	stream.indirect.gather [hbm4b:s1+s16], $0x40, s0, s16, $0xb8;
	[tilespmem:$0x1F280] =	vst v63  }
0xd4: {  	p1 =	por $0x0, $0x0;
	_ =	swait.ge [sflag:s26], $0x2800  }
.Ltmp6:
0xd5: {  	[sflag:s26] =	ssyncset.done $0x0;
	(pc) =	sbr.rel @p1 .LBB2_8-.Ltmp6, $4  }
0xd6: {  	[sflag:s26] =	ssyncadd.s32 $0xFFFFD800  }
0xd7: {  	s13 =	simm.s32 $0x66C0;
	_ =	swait.ge [sflag:s19], $0x1400  }
0xd8: {  	s12 =	simm.s32 $0x3EA0;
	p0 =	por $0x0, $0x0;
	[sflag:s19] =	ssyncset.done $0x0  }
0xd9: {  	s7 =	sadd.s32 $0x1040, s2;
	s0 =	sadd.s32 $0xFFFFFFB0, s30;
	[sflag:s19] =	ssyncadd.s32 $0xFFFFEC00  }
0xda: {  	s4 =	sadd.s32 $0xF0, s0  }
0xdb: {  	s8 =	sadd.s32 $0x1090, s0;
	v0 =	vmov s4  }
0xdc: {  	v1 =	vmov s8;
	_ =	sdelay $0x2  }
0xdd: {  	v2 =	vld [tilespmem:s12+$0xFFFFFFE0]  }
0xde: {  	v0 =	vld.idx.msk [tilespmem:v0+s15+$0x0], $0xffff  }
0xdf: {  	v1 =	vld.idx.msk [tilespmem:v1+s15+$0x0], $0xffff;
	_ =	sdelay $0x3  }
0xe0: {  	v3 =	vmul.f32 v2, v0  }
0xe1: {  	v2 =	vmul.f32 v2, v1  }
0xe2: {  	[tilespmem:s13+$0xFFFFFFC0] =	vst v3  }
0xe3: {  	[tilespmem:s13+$0x0] =	vst v2  }
0xe4: {  	v2 =	vld [tilespmem:s12+$0xFFFFFFF0];
	_ =	sdelay $0x4  }
0xe5: {  	v3 =	vmul.f32 v2, v0  }
0xe6: {  	v2 =	vmul.f32 v2, v1  }
0xe7: {  	[tilespmem:s13+$0xFFFFFFD0] =	vst v3  }
0xe8: {  	[tilespmem:s13+$0x10] =	vst v2  }
0xe9: {  	v2 =	vld [tilespmem:s12+$0x0];
	_ =	sdelay $0x4  }
0xea: {  	v3 =	vmul.f32 v2, v0  }
0xeb: {  	p3 =	por $0x0, $0x0;
	v2 =	vmul.f32 v2, v1  }
.Ltmp7:
0xec: {  	[tilespmem:s13+$0xFFFFFFE0] =	vst v3;
	(pc) =	sbr.rel @p3 .LBB2_10-.Ltmp7, $4  }
0xed: {  	[tilespmem:s13+$0x20] =	vst v2  }
0xee: {  	v2 =	vld [tilespmem:s12+$0x10]  }
0xef: {  	s11 =	simm.s32 $0x6740;
	p2 =	por $0x1, $0x1  }
0xf0: {  	s8 =	simm.s32 $0xFFFFFFB2;
	s4 =	sadd.s32 $0xFFFFFFB1, s30;
	s12 =	simm.s32 $0x3EE0  }
.LBB2_11:
0xf1: {  	s20 =	sadd.s32 $0xF0, s4  }
0xf2: {  	s22 =	sadd.s32 $0x1090, s4;
	s4 =	smov.u32 s8;
	s8 =	sadd.s32 $0x1, s8  }
0xf3: {  	p3 =	seq.s32 s8, $0x0;
	v3 =	vmov s20;
	v4 =	vmov s22;
	v0 =	vmul.f32 v2, v0  }
0xf4: {  	v1 =	vmul.f32 v2, v1  }
0xf5: {  	[tilespmem:s13+$0xFFFFFFF0] =	vst v0  }
0xf6: {  	[tilespmem:s13+$0x30] =	vst v1;
	s13 =	smov.u32 s11  }
0xf7: {  	v2 =	vld [tilespmem:s12+$0xFFFFFFE0]  }
0xf8: {  	v0 =	vld.idx.msk [tilespmem:v3+s15+$0x0], $0xffff  }
0xf9: {  	v1 =	vld.idx.msk [tilespmem:v4+s15+$0x0], $0xffff;
	_ =	sdelay $0x4  }
0xfa: {  	v3 =	vmul.f32 v2, v0  }
0xfb: {  	v2 =	vmul.f32 v2, v1  }
0xfc: {  	[tilespmem:s11+$0xFFFFFFC0] =	vst v3  }
0xfd: {  	[tilespmem:s11+$0x0] =	vst v2  }
0xfe: {  	v2 =	vld [tilespmem:s12+$0xFFFFFFF0];
	_ =	sdelay $0x4  }
0xff: {  	v3 =	vmul.f32 v2, v0;
	v2 =	vmul.f32 v2, v1;
	_ =	sdelay $0x1  }
0x100: {  	[tilespmem:s11+$0xFFFFFFD0] =	vst v3  }
0x101: {  	[tilespmem:s11+$0x10] =	vst v2  }
0x102: {  	v2 =	vld [tilespmem:s12+$0x0];
	_ =	sdelay $0x4  }
0x103: {  	v3 =	vmul.f32 v2, v0;
	v2 =	vmul.f32 v2, v1;
	_ =	sdelay $0x1  }
0x104: {  	[tilespmem:s11+$0xFFFFFFE0] =	vst v3  }
.Ltmp8:
0x105: {  	[tilespmem:s11+$0x20] =	vst v2;
	(pc) =	sbr.rel @!p3 .LBB2_11-.Ltmp8, $2  }
0x106: {  	v2 =	vld [tilespmem:s12+$0x10];
	_ =	sdelay $0x2  }
0x107: {  	s4 =	sadd.s32 s4, s30;
	s11 =	sadd.s32 $0x80, s11;
	s12 =	sadd.s32 $0x40, s12  }
0x108: {  	s8 =	smov.u32 s13;
	s13 =	smov.u32 s11  }
.LBB2_13:
0x109: {  	s11 =	sadd.s32 $0xF0, s4  }
0x10a: {  	s22 =	sadd.s32 $0x1090, s4;
	v0 =	vmul.f32 @p2 v2, v0;
	v3 =	vmov s11  }
0x10b: {  	v1 =	vmul.f32 @p2 v2, v1;
	v4 =	vmov s22  }
0x10c: {  	[tilespmem:s8+$0xFFFFFFF0] =	vst @p2 v0  }
0x10d: {  	[tilespmem:s8+$0x30] =	vst @p2 v1  }
0x10e: {  	v0 =	vld [tilespmem:s12+$0xFFFFFFE0]  }
0x10f: {  	v1 =	vld.idx.msk [tilespmem:v3+s15+$0x0], $0xffff  }
0x110: {  	v61 =	vld.idx.msk [tilespmem:v4+s15+$0x0], $0xffff;
	_ =	sdelay $0x3  }
0x111: {  	v3 =	vmul.f32 v0, v1  }
0x112: {  	v0 =	vmul.f32 v0, v61  }
0x113: {  	[tilespmem:s13+$0xFFFFFFC0] =	vst v3  }
0x114: {  	[tilespmem:s13+$0x0] =	vst v0  }
0x115: {  	v0 =	vld [tilespmem:s12+$0xFFFFFFF0];
	_ =	sdelay $0x4  }
0x116: {  	v62 =	vmul.f32 v0, v1  }
0x117: {  	v0 =	vmul.f32 v0, v61  }
0x118: {  	[tilespmem:s13+$0xFFFFFFD0] =	vst v62  }
0x119: {  	[tilespmem:s13+$0x10] =	vst v0  }
0x11a: {  	v0 =	vld [tilespmem:s12+$0x0];
	_ =	sdelay $0x4  }
0x11b: {  	v63 =	vmul.f32 v0, v1  }
0x11c: {  	v0 =	vmul.f32 v0, v61  }
0x11d: {  	[tilespmem:s13+$0xFFFFFFE0] =	vst v63  }
0x11e: {  	[tilespmem:s13+$0x20] =	vst v0  }
0x11f: {  	v0 =	vld [tilespmem:s12+$0x10];
	_ =	sdelay $0x4  }
0x120: {  	p2 =	seq.s32 s31, $0x17;
	v1 =	vmul.f32 v0, v1  }
0x121: {  	s4 =	smul.u32 @!p2 $0x280, s31;
	v0 =	vmul.f32 v0, v61  }
0x122: {  	[tilespmem:s13+$0xFFFFFFF0] =	vst v1  }
0x123: {  	s4 =	sshra.s32 @!p2 s4, $0x2;
	[tilespmem:s13+$0x30] =	vst v0  }
0x124: {  	[spmem:s3] =	stream.indirect.scatter.add.f32 [tilespmem:s21], [sflag:$0x3], $0x80, s7, s16, $0xb8;
	[tilespmem:$0x1F280] =	vst v63  }
0x125: {  	s8 =	simm.s32 @!p2 $0x3E80;
	s4 =	sadd.s32 @!p2 $0x140, s4;
	s7 =	simm.s32 @!p2 $0x50  }
0x126: {  	[tilespmem:s8], [sflag:$0x1] =	stream.indirect.gather @!p2 [hbm4b:s1+s7], $0x40, s4, s7, $0xb8;
	[tilespmem:$0x1F280] =	vst v63  }
0x127: {  	_ =	swait.ge [sflag:s28], $0x2800  }
.Ltmp9:
0x128: {  	[sflag:s28] =	ssyncset.done $0x0;
	(pc) =	sbr.rel @p1 .LBB2_14-.Ltmp9, $4  }
0x129: {  	[sflag:s28] =	ssyncadd.s32 $0xFFFFD800  }
0x12a: {  	_ =	swait.ge [sflag:s23], $0x1400  }
0x12b: {  	s2 =	sadd.s32 $0x1090, s2;
	[sflag:s23] =	ssyncset.done $0x0  }
0x12c: {  	s11 =	simm.s32 $0x52A0;
	s7 =	simm.s32 $0x8EC0;
	[sflag:s23] =	ssyncadd.s32 $0xFFFFEC00  }
0x12d: {  	s4 =	sadd.s32 $0x140, s0  }
0x12e: {  	s22 =	sadd.s32 $0x10E0, s0;
	v0 =	vmov s4  }
0x12f: {  	v1 =	vmov s22;
	_ =	sdelay $0x2  }
0x130: {  	v2 =	vld [tilespmem:s11+$0xFFFFFFE0]  }
0x131: {  	v0 =	vld.idx.msk [tilespmem:v0+s15+$0x0], $0xffff  }
0x132: {  	v1 =	vld.idx.msk [tilespmem:v1+s15+$0x0], $0xffff;
	_ =	sdelay $0x3  }
0x133: {  	v3 =	vmul.f32 v2, v0  }
0x134: {  	v2 =	vmul.f32 v2, v1  }
0x135: {  	[tilespmem:s7+$0xFFFFFFC0] =	vst v3  }
0x136: {  	[tilespmem:s7+$0x0] =	vst v2  }
0x137: {  	v2 =	vld [tilespmem:s11+$0xFFFFFFF0];
	_ =	sdelay $0x4  }
0x138: {  	v3 =	vmul.f32 v2, v0  }
0x139: {  	v2 =	vmul.f32 v2, v1  }
0x13a: {  	[tilespmem:s7+$0xFFFFFFD0] =	vst v3  }
0x13b: {  	[tilespmem:s7+$0x10] =	vst v2  }
0x13c: {  	v2 =	vld [tilespmem:s11+$0x0];
	_ =	sdelay $0x4  }
0x13d: {  	v3 =	vmul.f32 v2, v0  }
0x13e: {  	p1 =	por $0x0, $0x0;
	v2 =	vmul.f32 v2, v1  }
.Ltmp10:
0x13f: {  	[tilespmem:s7+$0xFFFFFFE0] =	vst v3;
	(pc) =	sbr.rel @p1 .LBB2_16-.Ltmp10, $4  }
0x140: {  	[tilespmem:s7+$0x20] =	vst v2  }
0x141: {  	v2 =	vld [tilespmem:s11+$0x10]  }
0x142: {  	s8 =	simm.s32 $0xFFFFFFB2;
	s0 =	sadd.s32 $0xFFFFFFB1, s30  }
0x143: {  	s12 =	simm.s32 $0x8F40;
	p0 =	por $0x1, $0x1;
	s11 =	simm.s32 $0x52E0  }
.LBB2_17:
0x144: {  	s4 =	sadd.s32 $0x140, s0  }
0x145: {  	s13 =	sadd.s32 $0x10E0, s0;
	s0 =	smov.u32 s8;
	s8 =	sadd.s32 $0x1, s8  }
0x146: {  	p1 =	seq.s32 s8, $0x0;
	v3 =	vmov s4;
	v4 =	vmov s13;
	v0 =	vmul.f32 v2, v0  }
0x147: {  	v1 =	vmul.f32 v2, v1  }
0x148: {  	[tilespmem:s7+$0xFFFFFFF0] =	vst v0  }
0x149: {  	[tilespmem:s7+$0x30] =	vst v1;
	s7 =	smov.u32 s12  }
0x14a: {  	v2 =	vld [tilespmem:s11+$0xFFFFFFE0]  }
0x14b: {  	v0 =	vld.idx.msk [tilespmem:v3+s15+$0x0], $0xffff  }
0x14c: {  	v1 =	vld.idx.msk [tilespmem:v4+s15+$0x0], $0xffff;
	_ =	sdelay $0x4  }
0x14d: {  	v3 =	vmul.f32 v2, v0  }
0x14e: {  	v2 =	vmul.f32 v2, v1  }
0x14f: {  	[tilespmem:s12+$0xFFFFFFC0] =	vst v3  }
0x150: {  	[tilespmem:s12+$0x0] =	vst v2  }
0x151: {  	v2 =	vld [tilespmem:s11+$0xFFFFFFF0];
	_ =	sdelay $0x4  }
0x152: {  	v3 =	vmul.f32 v2, v0;
	v2 =	vmul.f32 v2, v1;
	_ =	sdelay $0x1  }
0x153: {  	[tilespmem:s12+$0xFFFFFFD0] =	vst v3  }
0x154: {  	[tilespmem:s12+$0x10] =	vst v2  }
0x155: {  	v2 =	vld [tilespmem:s11+$0x0];
	_ =	sdelay $0x4  }
0x156: {  	v3 =	vmul.f32 v2, v0;
	v2 =	vmul.f32 v2, v1;
	_ =	sdelay $0x1  }
0x157: {  	[tilespmem:s12+$0xFFFFFFE0] =	vst v3  }
.Ltmp11:
0x158: {  	[tilespmem:s12+$0x20] =	vst v2;
	(pc) =	sbr.rel @!p1 .LBB2_17-.Ltmp11, $2  }
0x159: {  	v2 =	vld [tilespmem:s11+$0x10];
	_ =	sdelay $0x2  }
0x15a: {  	s0 =	sadd.s32 s0, s30;
	s12 =	sadd.s32 $0x80, s12;
	s11 =	sadd.s32 $0x40, s11  }
0x15b: {  	s4 =	smov.u32 s7;
	s7 =	smov.u32 s12  }
.LBB2_19:
0x15c: {  	s8 =	sadd.s32 $0x140, s0  }
0x15d: {  	s22 =	sadd.s32 $0x10E0, s0;
	v0 =	vmul.f32 @p0 v2, v0;
	v3 =	vmov s8  }
0x15e: {  	v1 =	vmul.f32 @p0 v2, v1;
	v4 =	vmov s22  }
0x15f: {  	[tilespmem:s4+$0xFFFFFFF0] =	vst @p0 v0  }
0x160: {  	[tilespmem:s4+$0x30] =	vst @p0 v1  }
0x161: {  	v0 =	vld [tilespmem:s11+$0xFFFFFFE0]  }
0x162: {  	v1 =	vld.idx.msk [tilespmem:v3+s15+$0x0], $0xffff  }
0x163: {  	v61 =	vld.idx.msk [tilespmem:v4+s15+$0x0], $0xffff;
	_ =	sdelay $0x3  }
0x164: {  	v3 =	vmul.f32 v0, v1  }
0x165: {  	v0 =	vmul.f32 v0, v61  }
0x166: {  	[tilespmem:s7+$0xFFFFFFC0] =	vst v3  }
0x167: {  	[tilespmem:s7+$0x0] =	vst v0  }
0x168: {  	v0 =	vld [tilespmem:s11+$0xFFFFFFF0];
	_ =	sdelay $0x4  }
0x169: {  	v62 =	vmul.f32 v0, v1  }
0x16a: {  	v0 =	vmul.f32 v0, v61  }
0x16b: {  	[tilespmem:s7+$0xFFFFFFD0] =	vst v62  }
0x16c: {  	[tilespmem:s7+$0x10] =	vst v0  }
0x16d: {  	v0 =	vld [tilespmem:s11+$0x0];
	_ =	sdelay $0x4  }
0x16e: {  	v63 =	vmul.f32 v0, v1  }
0x16f: {  	v0 =	vmul.f32 v0, v61  }
0x170: {  	[tilespmem:s7+$0xFFFFFFE0] =	vst v63  }
0x171: {  	[tilespmem:s7+$0x20] =	vst v0  }
0x172: {  	v0 =	vld [tilespmem:s11+$0x10];
	_ =	sdelay $0x2  }
0x173: {  	s31 =	sadd.s32 $0x1, s31  }
0x174: {  	p0 =	sne.s32 s31, $0x18  }
.Ltmp12:
0x175: {  	v1 =	vmul.f32 v0, v1;
	(pc) =	sbr.rel @p0 .LBB2_7-.Ltmp12, $4  }
.Ltmp13:
0x176: {  	v0 =	vmul.f32 v0, v61;
	(pc) =	sbr.rel @!p0 .LBB2_20-.Ltmp13, $4  }
0x177: {  	[tilespmem:s7+$0xFFFFFFF0] =	vst v1  }
0x178: {  	s30 =	sadd.s32 $0xA0, s30;
	[tilespmem:s7+$0x30] =	vst v0  }
0x179: {  	[spmem:s3] =	stream.indirect.scatter.add.f32 [tilespmem:s25], [sflag:$0x4], $0x80, s2, s16, $0xb8;
	[tilespmem:$0x1F280] =	vst v63  }
0x17a: {  	_ = 	snop  }
.LBB2_8:
.Ltmp14:
0x17b: {  	(pc) =	sbr.rel .LBB2_13-.Ltmp14, $2  }
0x17c: {  	_ =	sdelay $0x2  }
0x17d: {  	s4 =	smov.u32 s0;
	p2 =	por $0x0, $0x0  }
.LBB2_14:
.Ltmp15:
0x17e: {  	(pc) =	sbr.rel .LBB2_19-.Ltmp15, $2  }
0x17f: {  	_ =	sdelay $0x2  }
0x180: {  	_ = 	snop  }
.LBB2_10:
.Ltmp16:
0x181: {  	(pc) =	sbr.rel .LBB2_13-.Ltmp16, $2  }
0x182: {  	_ =	sdelay $0x2  }
0x183: {  	s8 =	simm.s32 $0x66C0;
	s13 =	simm.s32 $0x6740  }
.LBB2_16:
.Ltmp17:
0x184: {  	(pc) =	sbr.rel .LBB2_19-.Ltmp17, $2  }
0x185: {  	_ =	sdelay $0x2  }
0x186: {  	s4 =	simm.s32 $0x8EC0;
	s7 =	simm.s32 $0x8F40  }
.LBB2_22:
0x187: {  	_ =	sfence.sel $0x180000  }
0x188: {  	[bflag:$0x0] =	sbarrier.arrive $0xFFFF  }
0x189: {  	_ =	strace $0x9000004A  }
0x18a: {  	s0 =	stileid.u32;
	[bflag:$0x2] =	sbarrier.arrive $0xFFFF  }
0x18b: {  	p0 =	sne.s32 s0, $0x0;
	s0 =	rddreg [dreg:$0x3]  }
0x18c: {  	s0 =	sadd.s32 @!p0 $0x100000, s0  }
0x18d: {  	[sflag:s0] =	ssyncadd.tile.s32 @!p0 $0x1;
	_ =	shalt  }
.Lfunc_end2:
_tile_overlayer_lowered:
.L_overlay_start_2:
0x18e: {  	(tag) =	ssettag $0x2  }
0x18f: {  	s0 =	rddreg [dreg:$0x0];
	s2 =	stileid.u32  }
0x190: {  	s1 =	rddreg [dreg:$0x1];
	p0 =	sne.s32 s2, $0x0  }
0x191: {  	s3 =	rddreg [dreg:$0x2];
	[bflag:$0x3] =	sbarrier.arrive $0xFFFF;
	s2 =	simm.s32 @!p0 $0x1C05  }
0x192: {  	[timem:s3], [sflag:s2] =	dma.local @!p0 [hbm:s0], s1  }
0x193: {  	s0 =	simm.s32 @!p0 $0x5  }
0x194: {  	_ =	swait.ge @!p0 [sflag:s0], s1  }
0x195: {  	s1 =	ssub.s32 @!p0 $0x0, s1;
	[sflag:s0] =	ssyncset.done @!p0 $0x0  }
0x196: {  	[sflag:s0] =	ssyncadd.s32 @!p0 s1  }
0x197: {  	[bflag:$0x3] =	sbarrier.arrive $0xFFFF  }
0x198: {  	_ =	shalt  }

</sc_bundles>
